<compile_context>
chip_gen: v7x
topology: tpu7x:2x2x1
jax: 0.10.2.dev20260603
libtpu: 0.0.44.dev20260713+nightly
codegen_flags: <defaults>
</compile_context>

<pallas_src>
import functools

import jax
import jax.numpy as jnp
from jax import lax
from jax.experimental import pallas as pl
from jax.experimental.pallas import tpu as pltpu
from jax.experimental.pallas import tpu_sc as plsc

EMBEDDING_DIM = 128
CHUNK = 64
NBUF = 5
RBUF = 8


def _make_gather(num_rows: int):
    info = plsc.get_sparse_core_info()
    nc, ns = info.num_cores, info.num_subcores
    nw = nc * ns
    assert num_rows % (nw * CHUNK) == 0
    chunks_per_w = num_rows // (nw * CHUNK)
    assert chunks_per_w % NBUF == 0
    ngroups = chunks_per_w // NBUF
    mesh = plsc.VectorSubcoreMesh(core_axis_name="c", subcore_axis_name="s")

    @functools.partial(
        pl.kernel,
        mesh=mesh,
        out_type=jax.ShapeDtypeStruct((num_rows, EMBEDDING_DIM), jnp.float32),
        scratch_types=[
            pltpu.VMEM((chunks_per_w, CHUNK), jnp.int32),
            pltpu.VMEM((NBUF, CHUNK, EMBEDDING_DIM), jnp.float32),
            pltpu.VMEM_SHARED((ns, RBUF, CHUNK, EMBEDDING_DIM), jnp.float32),
            pltpu.SemaphoreType.DMA((NBUF,)),
            pltpu.SemaphoreType.DMA((NBUF,)),
            pltpu.SemaphoreType.DMA((RBUF,)),
        ],
    )
    def gather_k(table_hbm, idx_hbm, out_hbm, idx_v, rows_v, stage, gsem, osem, rsem):
        sid = lax.axis_index("s")
        wid = sid * nc + lax.axis_index("c")
        row0 = wid * chunks_per_w * CHUNK
        pltpu.sync_copy(idx_hbm.at[wid], idx_v)

        def gather(j, b):
            return pltpu.make_async_copy(
                table_hbm.at[idx_v.at[j]], rows_v.at[b], gsem.at[b]
            )

        def copy_direct(j, b):
            return pltpu.make_async_copy(
                rows_v.at[b],
                out_hbm.at[pl.ds(row0 + j * CHUNK, CHUNK)],
                osem.at[b],
            )

        def copy_spmem_out(j, r):
            return pltpu.make_async_copy(
                stage.at[sid, r],
                out_hbm.at[pl.ds(row0 + j * CHUNK, CHUNK)],
                rsem.at[r],
            )

        for b in range(NBUF):
            gather(b, b).start()

        def body(g, _):
            j0 = g * NBUF
            for t in range(NBUF):
                b, j = t, j0 + t
                gather(j, b).wait()
                if t == 0:
                    copy_direct(j, b).start()

                    @pl.when(g + 1 < ngroups)
                    def _():
                        copy_direct(j, b).wait()
                        gather(j + NBUF, b).start()
                else:
                    o = 4 * g + (t - 1)
                    r = lax.rem(o, RBUF)

                    @pl.when(o >= RBUF)
                    def _():
                        copy_spmem_out(j, r).wait()

                    pltpu.sync_copy(rows_v.at[b], stage.at[sid, r])
                    copy_spmem_out(j, r).start()

                    @pl.when(g + 1 < ngroups)
                    def _():
                        gather(j + NBUF, b).start()

            return 0

        lax.fori_loop(0, ngroups, body, 0)
        copy_direct((ngroups - 1) * NBUF, 0).wait()
        n_staged = 4 * ngroups
        for r in range(RBUF):
            last_o = n_staged - 1 - ((n_staged - 1 - r) % RBUF)
            g_last = last_o // 4
            t_last = 1 + (last_o % 4)
            copy_spmem_out(g_last * NBUF + t_last, r).wait()

    return gather_k


def kernel(input_, weight):
    b, s = input_.shape
    idx = input_.reshape(-1).astype(jnp.int32)
    num_rows = idx.shape[0]
    info = plsc.get_sparse_core_info()
    nw = info.num_cores * info.num_subcores
    idx2d = idx.reshape(nw, num_rows // (nw * CHUNK), CHUNK)
    out = _make_gather(num_rows)(weight, idx2d)
    return out.reshape(b, s, EMBEDDING_DIM)

# --- scband reference (transcript-rebuilt; emitter-appended) ---
"""Pipeline reference for scband-vocab-parallel-embedding-76398878261411 (READ-ONLY COPY).

The authoritative reference and input builder live on the scoring server;
editing this copy changes nothing except your own understanding.
"""

import jax, jax.numpy as jnp
import numpy as np

NUM_EMBEDDINGS = 100000
EMBEDDING_DIM = 128
PAD_ID = 0
VOCAB_START = 0
VOCAB_END = NUM_EMBEDDINGS  # world_size == 1


def setup_inputs(seed: int = 0) -> dict:
    key = jax.random.key(seed)
    k_idx, k_w = jax.random.split(key)
    input_ = jax.random.randint(k_idx, (4096, 50), 0, NUM_EMBEDDINGS, dtype=jnp.int64 if jax.config.jax_enable_x64 else jnp.int32)
    weight = jax.random.normal(k_w, (NUM_EMBEDDINGS, EMBEDDING_DIM), dtype=jnp.float32)
    return {"input_": input_, "weight": weight}


def reference(input_, weight):
    # VocabParallelEmbedding.forward with world_size == 1
    input_mask = (input_ < VOCAB_START) | (input_ >= VOCAB_END)
    masked_input = jnp.where(input_mask, 0, input_ - VOCAB_START)
    # F.embedding: plain gather (padding_idx only affects gradients)
    output_parallel = jnp.take(weight, masked_input, axis=0)
    output_parallel = jnp.where(input_mask[..., None], 0.0, output_parallel)
    # reduce_from_model_parallel_region is identity for world_size == 1
    return output_parallel

if __name__ == "__main__":
    import jax
    _d = setup_inputs()
    print(jax.jit(kernel)(*tuple(_d.values())))

</pallas_src>

<mosaic_0001>
#map = affine_map<(d0, d1) -> (0, 0)>
#map1 = affine_map<(d0, d1) -> (0, 0, 0)>
module attributes {stable_mosaic.version = 14 : i64} {
  func.func @gather_k(%arg0: i32, %arg1: i32, %arg2: memref<100000x128xf32, #tpu.memory_space<hbm>>, %arg3: memref<32x100x64xi32, #tpu.memory_space<hbm>>, %arg4: memref<204800x128xf32, #tpu.memory_space<hbm>>, %arg5: memref<100x64xi32, #tpu.memory_space<vmem>>, %arg6: memref<5x64x128xf32, #tpu.memory_space<vmem>>, %arg7: memref<16x8x64x128xf32, #tpu.memory_space<vmem_shared>>, %arg8: memref<5x!tpu.dma_semaphore, #tpu.memory_space<semaphore_mem>>, %arg9: memref<5x!tpu.dma_semaphore, #tpu.memory_space<semaphore_mem>>, %arg10: memref<8x!tpu.dma_semaphore, #tpu.memory_space<semaphore_mem>>) attributes {dimension_semantics = [#tpu.dimension_semantics<core_parallel>, #tpu.dimension_semantics<subcore_parallel>], iteration_bounds = array<i64: 2, 16>, scalar_prefetch = 0 : i64, scratch_operands = 6 : i64, tpu.core_type = #tpu.core_type<sc_vector_subcore>, window_params = [{transform_indices = #map}, {transform_indices = #map1}, {transform_indices = #map}]} {
    %mul3A = arith.constant 2 : i32
    %mul3A_0 = arith.muli %arg1, %mul3A : i32
    %add3A = arith.addi %mul3A_0, %arg0 : i32
    %mul3A_1 = arith.constant 100 : i32
    %mul3A_2 = arith.muli %add3A, %mul3A_1 : i32
    %mul3A_3 = arith.constant 64 : i32
    %mul3A_4 = arith.muli %mul3A_2, %mul3A_3 : i32
    "tpu.region"() ({
      %run_scoped3A = tpu.sem_alloc : memref<!tpu.dma_semaphore, #tpu.memory_space<semaphore_mem>>
      %dma_start3A_198 = arith.constant 0 : i32
      %dma_start3A_199 = arith.constant 0 : i32
      %dma_start3A_200 = tpu.memref_slice %arg3[%add3A, %dma_start3A_198, %dma_start3A_199] : memref<32x100x64xi32, #tpu.memory_space<hbm>> -> memref<1x100x64xi32, #tpu.memory_space<hbm>>
      %dma_start3A_201 = tpu.memref_squeeze %dma_start3A_200 : memref<1x100x64xi32, #tpu.memory_space<hbm>> -> memref<100x64xi32, #tpu.memory_space<hbm>>
      %dma_start3A_202 = arith.constant 0 : i32
      %dma_start3A_203 = arith.constant 0 : i32
      %dma_start3A_204 = tpu.memref_slice %arg3[%add3A, %dma_start3A_202, %dma_start3A_203] : memref<32x100x64xi32, #tpu.memory_space<hbm>> -> memref<1x100x64xi32, #tpu.memory_space<hbm>>
      %dma_start3A_205 = tpu.memref_squeeze %dma_start3A_204 : memref<1x100x64xi32, #tpu.memory_space<hbm>> -> memref<100x64xi32, #tpu.memory_space<hbm>>
      tpu.enqueue_dma source(%dma_start3A_205 : memref<100x64xi32, #tpu.memory_space<hbm>>) target(%arg5 : memref<100x64xi32, #tpu.memory_space<vmem>>) target_semaphore(%run_scoped3A : memref<!tpu.dma_semaphore, #tpu.memory_space<semaphore_mem>>)
      %dma_wait3A_206 = arith.constant 0 : i32
      %dma_wait3A_207 = arith.constant 0 : i32
      %dma_wait3A_208 = tpu.memref_slice %arg3[%add3A, %dma_wait3A_206, %dma_wait3A_207] : memref<32x100x64xi32, #tpu.memory_space<hbm>> -> memref<1x100x64xi32, #tpu.memory_space<hbm>>
      %dma_wait3A_209 = tpu.memref_squeeze %dma_wait3A_208 : memref<1x100x64xi32, #tpu.memory_space<hbm>> -> memref<100x64xi32, #tpu.memory_space<hbm>>
      %dma_wait3A_210 = arith.constant 0 : i32
      %dma_wait3A_211 = arith.constant 0 : i32
      %dma_wait3A_212 = tpu.memref_slice %arg3[%add3A, %dma_wait3A_210, %dma_wait3A_211] : memref<32x100x64xi32, #tpu.memory_space<hbm>> -> memref<1x100x64xi32, #tpu.memory_space<hbm>>
      %dma_wait3A_213 = tpu.memref_squeeze %dma_wait3A_212 : memref<1x100x64xi32, #tpu.memory_space<hbm>> -> memref<100x64xi32, #tpu.memory_space<hbm>>
      tpu.wait_dma2 semaphore(%run_scoped3A : memref<!tpu.dma_semaphore, #tpu.memory_space<semaphore_mem>>) src(%dma_wait3A_213 : memref<100x64xi32, #tpu.memory_space<hbm>>) dst(%arg5 : memref<100x64xi32, #tpu.memory_space<vmem>>)
      tpu.yield
    }) : () -> ()
    %dma_start3A = arith.constant 0 : i32
    %dma_start3A_5 = arith.constant 0 : i32
    %dma_start3A_6 = arith.constant 0 : i32
    %dma_start3A_7 = arith.constant 0 : i32
    %dma_start3A_8 = arith.constant 0 : i32
    %dma_start3A_9 = tpu.memref_slice %arg6[%dma_start3A_5, %dma_start3A_7, %dma_start3A_8] : memref<5x64x128xf32, #tpu.memory_space<vmem>> -> memref<1x64x128xf32, #tpu.memory_space<vmem>>
    %dma_start3A_10 = tpu.memref_squeeze %dma_start3A_9 : memref<1x64x128xf32, #tpu.memory_space<vmem>> -> memref<64x128xf32, #tpu.memory_space<vmem>>
    %dma_start3A_11 = arith.constant 0 : i32
    %dma_start3A_12 = tpu.memref_slice %arg5[%dma_start3A, %dma_start3A_11] : memref<100x64xi32, #tpu.memory_space<vmem>> -> memref<1x64xi32, #tpu.memory_space<vmem>>
    %dma_start3A_13 = tpu.memref_squeeze %dma_start3A_12 : memref<1x64xi32, #tpu.memory_space<vmem>> -> memref<64xi32, #tpu.memory_space<vmem>>
    %dma_start3A_14 = arith.constant 0 : i32
    %dma_start3A_15 = arith.constant 0 : i32
    %dma_start3A_16 = tpu.memref_slice %arg2[%dma_start3A_14, %dma_start3A_15] : memref<100000x128xf32, #tpu.memory_space<hbm>> -> memref<100000x128xf32, #tpu.memory_space<hbm>>
    %dma_start3A_17 = tpu.memref_slice %arg8[%dma_start3A_6] : memref<5x!tpu.dma_semaphore, #tpu.memory_space<semaphore_mem>> -> memref<1x!tpu.dma_semaphore, #tpu.memory_space<semaphore_mem>>
    %dma_start3A_18 = tpu.memref_squeeze %dma_start3A_17 : memref<1x!tpu.dma_semaphore, #tpu.memory_space<semaphore_mem>> -> memref<!tpu.dma_semaphore, #tpu.memory_space<semaphore_mem>>
    tpu.enqueue_indirect_dma source(%dma_start3A_16 : memref<100000x128xf32, #tpu.memory_space<hbm>>) target(%dma_start3A_10 : memref<64x128xf32, #tpu.memory_space<vmem>>) offsets(%dma_start3A_13 : memref<64xi32, #tpu.memory_space<vmem>>) semaphore(%dma_start3A_18 : memref<!tpu.dma_semaphore, #tpu.memory_space<semaphore_mem>>)
    %dma_start3A_19 = arith.constant 1 : i32
    %dma_start3A_20 = arith.constant 1 : i32
    %dma_start3A_21 = arith.constant 1 : i32
    %dma_start3A_22 = arith.constant 0 : i32
    %dma_start3A_23 = arith.constant 0 : i32
    %dma_start3A_24 = tpu.memref_slice %arg6[%dma_start3A_20, %dma_start3A_22, %dma_start3A_23] : memref<5x64x128xf32, #tpu.memory_space<vmem>> -> memref<1x64x128xf32, #tpu.memory_space<vmem>>
    %dma_start3A_25 = tpu.memref_squeeze %dma_start3A_24 : memref<1x64x128xf32, #tpu.memory_space<vmem>> -> memref<64x128xf32, #tpu.memory_space<vmem>>
    %dma_start3A_26 = arith.constant 0 : i32
    %dma_start3A_27 = tpu.memref_slice %arg5[%dma_start3A_19, %dma_start3A_26] : memref<100x64xi32, #tpu.memory_space<vmem>> -> memref<1x64xi32, #tpu.memory_space<vmem>>
    %dma_start3A_28 = tpu.memref_squeeze %dma_start3A_27 : memref<1x64xi32, #tpu.memory_space<vmem>> -> memref<64xi32, #tpu.memory_space<vmem>>
    %dma_start3A_29 = arith.constant 0 : i32
    %dma_start3A_30 = arith.constant 0 : i32
    %dma_start3A_31 = tpu.memref_slice %arg2[%dma_start3A_29, %dma_start3A_30] : memref<100000x128xf32, #tpu.memory_space<hbm>> -> memref<100000x128xf32, #tpu.memory_space<hbm>>
    %dma_start3A_32 = tpu.memref_slice %arg8[%dma_start3A_21] : memref<5x!tpu.dma_semaphore, #tpu.memory_space<semaphore_mem>> -> memref<1x!tpu.dma_semaphore, #tpu.memory_space<semaphore_mem>>
    %dma_start3A_33 = tpu.memref_squeeze %dma_start3A_32 : memref<1x!tpu.dma_semaphore, #tpu.memory_space<semaphore_mem>> -> memref<!tpu.dma_semaphore, #tpu.memory_space<semaphore_mem>>
    tpu.enqueue_indirect_dma source(%dma_start3A_31 : memref<100000x128xf32, #tpu.memory_space<hbm>>) target(%dma_start3A_25 : memref<64x128xf32, #tpu.memory_space<vmem>>) offsets(%dma_start3A_28 : memref<64xi32, #tpu.memory_space<vmem>>) semaphore(%dma_start3A_33 : memref<!tpu.dma_semaphore, #tpu.memory_space<semaphore_mem>>)
    %dma_start3A_34 = arith.constant 2 : i32
    %dma_start3A_35 = arith.constant 2 : i32
    %dma_start3A_36 = arith.constant 2 : i32
    %dma_start3A_37 = arith.constant 0 : i32
    %dma_start3A_38 = arith.constant 0 : i32
    %dma_start3A_39 = tpu.memref_slice %arg6[%dma_start3A_35, %dma_start3A_37, %dma_start3A_38] : memref<5x64x128xf32, #tpu.memory_space<vmem>> -> memref<1x64x128xf32, #tpu.memory_space<vmem>>
    %dma_start3A_40 = tpu.memref_squeeze %dma_start3A_39 : memref<1x64x128xf32, #tpu.memory_space<vmem>> -> memref<64x128xf32, #tpu.memory_space<vmem>>
    %dma_start3A_41 = arith.constant 0 : i32
    %dma_start3A_42 = tpu.memref_slice %arg5[%dma_start3A_34, %dma_start3A_41] : memref<100x64xi32, #tpu.memory_space<vmem>> -> memref<1x64xi32, #tpu.memory_space<vmem>>
    %dma_start3A_43 = tpu.memref_squeeze %dma_start3A_42 : memref<1x64xi32, #tpu.memory_space<vmem>> -> memref<64xi32, #tpu.memory_space<vmem>>
    %dma_start3A_44 = arith.constant 0 : i32
    %dma_start3A_45 = arith.constant 0 : i32
    %dma_start3A_46 = tpu.memref_slice %arg2[%dma_start3A_44, %dma_start3A_45] : memref<100000x128xf32, #tpu.memory_space<hbm>> -> memref<100000x128xf32, #tpu.memory_space<hbm>>
    %dma_start3A_47 = tpu.memref_slice %arg8[%dma_start3A_36] : memref<5x!tpu.dma_semaphore, #tpu.memory_space<semaphore_mem>> -> memref<1x!tpu.dma_semaphore, #tpu.memory_space<semaphore_mem>>
    %dma_start3A_48 = tpu.memref_squeeze %dma_start3A_47 : memref<1x!tpu.dma_semaphore, #tpu.memory_space<semaphore_mem>> -> memref<!tpu.dma_semaphore, #tpu.memory_space<semaphore_mem>>
    tpu.enqueue_indirect_dma source(%dma_start3A_46 : memref<100000x128xf32, #tpu.memory_space<hbm>>) target(%dma_start3A_40 : memref<64x128xf32, #tpu.memory_space<vmem>>) offsets(%dma_start3A_43 : memref<64xi32, #tpu.memory_space<vmem>>) semaphore(%dma_start3A_48 : memref<!tpu.dma_semaphore, #tpu.memory_space<semaphore_mem>>)
    %dma_start3A_49 = arith.constant 3 : i32
    %dma_start3A_50 = arith.constant 3 : i32
    %dma_start3A_51 = arith.constant 3 : i32
    %dma_start3A_52 = arith.constant 0 : i32
    %dma_start3A_53 = arith.constant 0 : i32
    %dma_start3A_54 = tpu.memref_slice %arg6[%dma_start3A_50, %dma_start3A_52, %dma_start3A_53] : memref<5x64x128xf32, #tpu.memory_space<vmem>> -> memref<1x64x128xf32, #tpu.memory_space<vmem>>
    %dma_start3A_55 = tpu.memref_squeeze %dma_start3A_54 : memref<1x64x128xf32, #tpu.memory_space<vmem>> -> memref<64x128xf32, #tpu.memory_space<vmem>>
    %dma_start3A_56 = arith.constant 0 : i32
    %dma_start3A_57 = tpu.memref_slice %arg5[%dma_start3A_49, %dma_start3A_56] : memref<100x64xi32, #tpu.memory_space<vmem>> -> memref<1x64xi32, #tpu.memory_space<vmem>>
    %dma_start3A_58 = tpu.memref_squeeze %dma_start3A_57 : memref<1x64xi32, #tpu.memory_space<vmem>> -> memref<64xi32, #tpu.memory_space<vmem>>
    %dma_start3A_59 = arith.constant 0 : i32
    %dma_start3A_60 = arith.constant 0 : i32
    %dma_start3A_61 = tpu.memref_slice %arg2[%dma_start3A_59, %dma_start3A_60] : memref<100000x128xf32, #tpu.memory_space<hbm>> -> memref<100000x128xf32, #tpu.memory_space<hbm>>
    %dma_start3A_62 = tpu.memref_slice %arg8[%dma_start3A_51] : memref<5x!tpu.dma_semaphore, #tpu.memory_space<semaphore_mem>> -> memref<1x!tpu.dma_semaphore, #tpu.memory_space<semaphore_mem>>
    %dma_start3A_63 = tpu.memref_squeeze %dma_start3A_62 : memref<1x!tpu.dma_semaphore, #tpu.memory_space<semaphore_mem>> -> memref<!tpu.dma_semaphore, #tpu.memory_space<semaphore_mem>>
    tpu.enqueue_indirect_dma source(%dma_start3A_61 : memref<100000x128xf32, #tpu.memory_space<hbm>>) target(%dma_start3A_55 : memref<64x128xf32, #tpu.memory_space<vmem>>) offsets(%dma_start3A_58 : memref<64xi32, #tpu.memory_space<vmem>>) semaphore(%dma_start3A_63 : memref<!tpu.dma_semaphore, #tpu.memory_space<semaphore_mem>>)
    %dma_start3A_64 = arith.constant 4 : i32
    %dma_start3A_65 = arith.constant 4 : i32
    %dma_start3A_66 = arith.constant 4 : i32
    %dma_start3A_67 = arith.constant 0 : i32
    %dma_start3A_68 = arith.constant 0 : i32
    %dma_start3A_69 = tpu.memref_slice %arg6[%dma_start3A_65, %dma_start3A_67, %dma_start3A_68] : memref<5x64x128xf32, #tpu.memory_space<vmem>> -> memref<1x64x128xf32, #tpu.memory_space<vmem>>
    %dma_start3A_70 = tpu.memref_squeeze %dma_start3A_69 : memref<1x64x128xf32, #tpu.memory_space<vmem>> -> memref<64x128xf32, #tpu.memory_space<vmem>>
    %dma_start3A_71 = arith.constant 0 : i32
    %dma_start3A_72 = tpu.memref_slice %arg5[%dma_start3A_64, %dma_start3A_71] : memref<100x64xi32, #tpu.memory_space<vmem>> -> memref<1x64xi32, #tpu.memory_space<vmem>>
    %dma_start3A_73 = tpu.memref_squeeze %dma_start3A_72 : memref<1x64xi32, #tpu.memory_space<vmem>> -> memref<64xi32, #tpu.memory_space<vmem>>
    %dma_start3A_74 = arith.constant 0 : i32
    %dma_start3A_75 = arith.constant 0 : i32
    %dma_start3A_76 = tpu.memref_slice %arg2[%dma_start3A_74, %dma_start3A_75] : memref<100000x128xf32, #tpu.memory_space<hbm>> -> memref<100000x128xf32, #tpu.memory_space<hbm>>
    %dma_start3A_77 = tpu.memref_slice %arg8[%dma_start3A_66] : memref<5x!tpu.dma_semaphore, #tpu.memory_space<semaphore_mem>> -> memref<1x!tpu.dma_semaphore, #tpu.memory_space<semaphore_mem>>
    %dma_start3A_78 = tpu.memref_squeeze %dma_start3A_77 : memref<1x!tpu.dma_semaphore, #tpu.memory_space<semaphore_mem>> -> memref<!tpu.dma_semaphore, #tpu.memory_space<semaphore_mem>>
    tpu.enqueue_indirect_dma source(%dma_start3A_76 : memref<100000x128xf32, #tpu.memory_space<hbm>>) target(%dma_start3A_70 : memref<64x128xf32, #tpu.memory_space<vmem>>) offsets(%dma_start3A_73 : memref<64xi32, #tpu.memory_space<vmem>>) semaphore(%dma_start3A_78 : memref<!tpu.dma_semaphore, #tpu.memory_space<semaphore_mem>>)
    %scan3A = arith.constant 0 : i32
    %scan3A_79 = arith.constant 0 : i32
    %scan3A_80 = arith.constant 20 : i32
    %scan3A_81 = arith.addi %scan3A_79, %scan3A_80 : i32
    %scan3A_82 = arith.constant 1 : i32
    %scan3A_83 = scf.for %scan3A_198 = %scan3A_79 to %scan3A_81 step %scan3A_82 iter_args(%scan3A_199 = %scan3A) -> (i32)  : i32 {
      %mul3A_200 = arith.constant 5 : i32
      %mul3A_201 = arith.muli %scan3A_198, %mul3A_200 : i32
      %add3A_202 = arith.constant 0 : i32
      %add3A_203 = arith.addi %mul3A_201, %add3A_202 : i32
      %dma_wait3A_204 = arith.constant 0 : i32
      %dma_wait3A_205 = arith.constant 0 : i32
      %dma_wait3A_206 = arith.constant 0 : i32
      %dma_wait3A_207 = arith.constant 0 : i32
      %dma_wait3A_208 = tpu.memref_slice %arg6[%dma_wait3A_204, %dma_wait3A_206, %dma_wait3A_207] : memref<5x64x128xf32, #tpu.memory_space<vmem>> -> memref<1x64x128xf32, #tpu.memory_space<vmem>>
      %dma_wait3A_209 = tpu.memref_squeeze %dma_wait3A_208 : memref<1x64x128xf32, #tpu.memory_space<vmem>> -> memref<64x128xf32, #tpu.memory_space<vmem>>
      %dma_wait3A_210 = arith.constant 0 : i32
      %dma_wait3A_211 = tpu.memref_slice %arg5[%add3A_203, %dma_wait3A_210] : memref<100x64xi32, #tpu.memory_space<vmem>> -> memref<1x64xi32, #tpu.memory_space<vmem>>
      %dma_wait3A_212 = tpu.memref_squeeze %dma_wait3A_211 : memref<1x64xi32, #tpu.memory_space<vmem>> -> memref<64xi32, #tpu.memory_space<vmem>>
      %dma_wait3A_213 = arith.constant 0 : i32
      %dma_wait3A_214 = arith.constant 0 : i32
      %dma_wait3A_215 = tpu.memref_slice %arg2[%dma_wait3A_213, %dma_wait3A_214] : memref<100000x128xf32, #tpu.memory_space<hbm>> -> memref<100000x128xf32, #tpu.memory_space<hbm>>
      %dma_wait3A_216 = tpu.memref_slice %arg8[%dma_wait3A_205] : memref<5x!tpu.dma_semaphore, #tpu.memory_space<semaphore_mem>> -> memref<1x!tpu.dma_semaphore, #tpu.memory_space<semaphore_mem>>
      %dma_wait3A_217 = tpu.memref_squeeze %dma_wait3A_216 : memref<1x!tpu.dma_semaphore, #tpu.memory_space<semaphore_mem>> -> memref<!tpu.dma_semaphore, #tpu.memory_space<semaphore_mem>>
      tpu.wait_indirect_dma semaphore(%dma_wait3A_217 : memref<!tpu.dma_semaphore, #tpu.memory_space<semaphore_mem>>) src(%dma_wait3A_215 : memref<100000x128xf32, #tpu.memory_space<hbm>>) dst(%dma_wait3A_209 : memref<64x128xf32, #tpu.memory_space<vmem>>)
      %mul3A_218 = arith.constant 64 : i32
      %mul3A_219 = arith.muli %add3A_203, %mul3A_218 : i32
      %add3A_220 = arith.addi %mul3A_4, %mul3A_219 : i32
      %dma_start3A_221 = arith.constant 0 : i32
      %dma_start3A_222 = arith.constant 0 : i32
      %dma_start3A_223 = arith.constant 0 : i32
      %dma_start3A_224 = arith.constant 0 : i32
      %dma_start3A_225 = tpu.memref_slice %arg6[%dma_start3A_221, %dma_start3A_223, %dma_start3A_224] : memref<5x64x128xf32, #tpu.memory_space<vmem>> -> memref<1x64x128xf32, #tpu.memory_space<vmem>>
      %dma_start3A_226 = tpu.memref_squeeze %dma_start3A_225 : memref<1x64x128xf32, #tpu.memory_space<vmem>> -> memref<64x128xf32, #tpu.memory_space<vmem>>
      %dma_start3A_227 = arith.constant 0 : i32
      %dma_start3A_228 = tpu.memref_slice %arg4[%add3A_220, %dma_start3A_227] : memref<204800x128xf32, #tpu.memory_space<hbm>> -> memref<64x128xf32, #tpu.memory_space<hbm>>
      %dma_start3A_229 = tpu.memref_slice %arg9[%dma_start3A_222] : memref<5x!tpu.dma_semaphore, #tpu.memory_space<semaphore_mem>> -> memref<1x!tpu.dma_semaphore, #tpu.memory_space<semaphore_mem>>
      %dma_start3A_230 = tpu.memref_squeeze %dma_start3A_229 : memref<1x!tpu.dma_semaphore, #tpu.memory_space<semaphore_mem>> -> memref<!tpu.dma_semaphore, #tpu.memory_space<semaphore_mem>>
      %dma_start3A_231 = arith.constant 0 : i32
      %dma_start3A_232 = tpu.memref_slice %arg4[%add3A_220, %dma_start3A_231] : memref<204800x128xf32, #tpu.memory_space<hbm>> -> memref<64x128xf32, #tpu.memory_space<hbm>>
      %dma_start3A_233 = arith.constant 0 : i32
      %dma_start3A_234 = arith.constant 0 : i32
      %dma_start3A_235 = tpu.memref_slice %arg6[%dma_start3A_221, %dma_start3A_233, %dma_start3A_234] : memref<5x64x128xf32, #tpu.memory_space<vmem>> -> memref<1x64x128xf32, #tpu.memory_space<vmem>>
      %dma_start3A_236 = tpu.memref_squeeze %dma_start3A_235 : memref<1x64x128xf32, #tpu.memory_space<vmem>> -> memref<64x128xf32, #tpu.memory_space<vmem>>
      tpu.enqueue_dma source(%dma_start3A_236 : memref<64x128xf32, #tpu.memory_space<vmem>>) target(%dma_start3A_232 : memref<64x128xf32, #tpu.memory_space<hbm>>) target_semaphore(%dma_start3A_230 : memref<!tpu.dma_semaphore, #tpu.memory_space<semaphore_mem>>)
      %add3A_237 = arith.constant 1 : i32
      %add3A_238 = arith.addi %scan3A_198, %add3A_237 : i32
      %lt3A = arith.constant 20 : i32
      %lt3A_239 = arith.cmpi slt, %add3A_238, %lt3A : i32
      %convert_element_type3A = arith.extui %lt3A_239 : i1 to i32
      %cond3A = arith.constant 0 : i32
      %cond3A_240 = arith.cmpi ne, %convert_element_type3A, %cond3A : i32
      scf.if %cond3A_240 {
        %mul3A_423 = arith.constant 64 : i32
        %mul3A_424 = arith.muli %add3A_203, %mul3A_423 : i32
        %add3A_425 = arith.addi %mul3A_4, %mul3A_424 : i32
        %dma_wait3A_426 = arith.constant 0 : i32
        %dma_wait3A_427 = arith.constant 0 : i32
        %dma_wait3A_428 = arith.constant 0 : i32
        %dma_wait3A_429 = arith.constant 0 : i32
        %dma_wait3A_430 = tpu.memref_slice %arg6[%dma_wait3A_426, %dma_wait3A_428, %dma_wait3A_429] : memref<5x64x128xf32, #tpu.memory_space<vmem>> -> memref<1x64x128xf32, #tpu.memory_space<vmem>>
        %dma_wait3A_431 = tpu.memref_squeeze %dma_wait3A_430 : memref<1x64x128xf32, #tpu.memory_space<vmem>> -> memref<64x128xf32, #tpu.memory_space<vmem>>
        %dma_wait3A_432 = arith.constant 0 : i32
        %dma_wait3A_433 = tpu.memref_slice %arg4[%add3A_425, %dma_wait3A_432] : memref<204800x128xf32, #tpu.memory_space<hbm>> -> memref<64x128xf32, #tpu.memory_space<hbm>>
        %dma_wait3A_434 = tpu.memref_slice %arg9[%dma_wait3A_427] : memref<5x!tpu.dma_semaphore, #tpu.memory_space<semaphore_mem>> -> memref<1x!tpu.dma_semaphore, #tpu.memory_space<semaphore_mem>>
        %dma_wait3A_435 = tpu.memref_squeeze %dma_wait3A_434 : memref<1x!tpu.dma_semaphore, #tpu.memory_space<semaphore_mem>> -> memref<!tpu.dma_semaphore, #tpu.memory_space<semaphore_mem>>
        %dma_wait3A_436 = arith.constant 0 : i32
        %dma_wait3A_437 = tpu.memref_slice %arg4[%add3A_425, %dma_wait3A_436] : memref<204800x128xf32, #tpu.memory_space<hbm>> -> memref<64x128xf32, #tpu.memory_space<hbm>>
        %dma_wait3A_438 = arith.constant 0 : i32
        %dma_wait3A_439 = arith.constant 0 : i32
        %dma_wait3A_440 = tpu.memref_slice %arg6[%dma_wait3A_426, %dma_wait3A_438, %dma_wait3A_439] : memref<5x64x128xf32, #tpu.memory_space<vmem>> -> memref<1x64x128xf32, #tpu.memory_space<vmem>>
        %dma_wait3A_441 = tpu.memref_squeeze %dma_wait3A_440 : memref<1x64x128xf32, #tpu.memory_space<vmem>> -> memref<64x128xf32, #tpu.memory_space<vmem>>
        tpu.wait_dma2 semaphore(%dma_wait3A_435 : memref<!tpu.dma_semaphore, #tpu.memory_space<semaphore_mem>>) src(%dma_wait3A_441 : memref<64x128xf32, #tpu.memory_space<vmem>>) dst(%dma_wait3A_437 : memref<64x128xf32, #tpu.memory_space<hbm>>)
        %add3A_442 = arith.constant 5 : i32
        %add3A_443 = arith.addi %add3A_203, %add3A_442 : i32
        %dma_start3A_444 = arith.constant 0 : i32
        %dma_start3A_445 = arith.constant 0 : i32
        %dma_start3A_446 = arith.constant 0 : i32
        %dma_start3A_447 = arith.constant 0 : i32
        %dma_start3A_448 = tpu.memref_slice %arg6[%dma_start3A_444, %dma_start3A_446, %dma_start3A_447] : memref<5x64x128xf32, #tpu.memory_space<vmem>> -> memref<1x64x128xf32, #tpu.memory_space<vmem>>
        %dma_start3A_449 = tpu.memref_squeeze %dma_start3A_448 : memref<1x64x128xf32, #tpu.memory_space<vmem>> -> memref<64x128xf32, #tpu.memory_space<vmem>>
        %dma_start3A_450 = arith.constant 0 : i32
        %dma_start3A_451 = tpu.memref_slice %arg5[%add3A_443, %dma_start3A_450] : memref<100x64xi32, #tpu.memory_space<vmem>> -> memref<1x64xi32, #tpu.memory_space<vmem>>
        %dma_start3A_452 = tpu.memref_squeeze %dma_start3A_451 : memref<1x64xi32, #tpu.memory_space<vmem>> -> memref<64xi32, #tpu.memory_space<vmem>>
        %dma_start3A_453 = arith.constant 0 : i32
        %dma_start3A_454 = arith.constant 0 : i32
        %dma_start3A_455 = tpu.memref_slice %arg2[%dma_start3A_453, %dma_start3A_454] : memref<100000x128xf32, #tpu.memory_space<hbm>> -> memref<100000x128xf32, #tpu.memory_space<hbm>>
        %dma_start3A_456 = tpu.memref_slice %arg8[%dma_start3A_445] : memref<5x!tpu.dma_semaphore, #tpu.memory_space<semaphore_mem>> -> memref<1x!tpu.dma_semaphore, #tpu.memory_space<semaphore_mem>>
        %dma_start3A_457 = tpu.memref_squeeze %dma_start3A_456 : memref<1x!tpu.dma_semaphore, #tpu.memory_space<semaphore_mem>> -> memref<!tpu.dma_semaphore, #tpu.memory_space<semaphore_mem>>
        tpu.enqueue_indirect_dma source(%dma_start3A_455 : memref<100000x128xf32, #tpu.memory_space<hbm>>) target(%dma_start3A_449 : memref<64x128xf32, #tpu.memory_space<vmem>>) offsets(%dma_start3A_452 : memref<64xi32, #tpu.memory_space<vmem>>) semaphore(%dma_start3A_457 : memref<!tpu.dma_semaphore, #tpu.memory_space<semaphore_mem>>)
      } else {
      }
      %add3A_241 = arith.constant 1 : i32
      %add3A_242 = arith.addi %mul3A_201, %add3A_241 : i32
      %dma_wait3A_243 = arith.constant 1 : i32
      %dma_wait3A_244 = arith.constant 1 : i32
      %dma_wait3A_245 = arith.constant 0 : i32
      %dma_wait3A_246 = arith.constant 0 : i32
      %dma_wait3A_247 = tpu.memref_slice %arg6[%dma_wait3A_243, %dma_wait3A_245, %dma_wait3A_246] : memref<5x64x128xf32, #tpu.memory_space<vmem>> -> memref<1x64x128xf32, #tpu.memory_space<vmem>>
      %dma_wait3A_248 = tpu.memref_squeeze %dma_wait3A_247 : memref<1x64x128xf32, #tpu.memory_space<vmem>> -> memref<64x128xf32, #tpu.memory_space<vmem>>
      %dma_wait3A_249 = arith.constant 0 : i32
      %dma_wait3A_250 = tpu.memref_slice %arg5[%add3A_242, %dma_wait3A_249] : memref<100x64xi32, #tpu.memory_space<vmem>> -> memref<1x64xi32, #tpu.memory_space<vmem>>
      %dma_wait3A_251 = tpu.memref_squeeze %dma_wait3A_250 : memref<1x64xi32, #tpu.memory_space<vmem>> -> memref<64xi32, #tpu.memory_space<vmem>>
      %dma_wait3A_252 = arith.constant 0 : i32
      %dma_wait3A_253 = arith.constant 0 : i32
      %dma_wait3A_254 = tpu.memref_slice %arg2[%dma_wait3A_252, %dma_wait3A_253] : memref<100000x128xf32, #tpu.memory_space<hbm>> -> memref<100000x128xf32, #tpu.memory_space<hbm>>
      %dma_wait3A_255 = tpu.memref_slice %arg8[%dma_wait3A_244] : memref<5x!tpu.dma_semaphore, #tpu.memory_space<semaphore_mem>> -> memref<1x!tpu.dma_semaphore, #tpu.memory_space<semaphore_mem>>
      %dma_wait3A_256 = tpu.memref_squeeze %dma_wait3A_255 : memref<1x!tpu.dma_semaphore, #tpu.memory_space<semaphore_mem>> -> memref<!tpu.dma_semaphore, #tpu.memory_space<semaphore_mem>>
      tpu.wait_indirect_dma semaphore(%dma_wait3A_256 : memref<!tpu.dma_semaphore, #tpu.memory_space<semaphore_mem>>) src(%dma_wait3A_254 : memref<100000x128xf32, #tpu.memory_space<hbm>>) dst(%dma_wait3A_248 : memref<64x128xf32, #tpu.memory_space<vmem>>)
      %mul3A_257 = arith.constant 4 : i32
      %mul3A_258 = arith.muli %mul3A_257, %scan3A_198 : i32
      %add3A_259 = arith.constant 0 : i32
      %add3A_260 = arith.addi %mul3A_258, %add3A_259 : i32
      %rem3A = arith.constant 8 : i32
      %rem3A_261 = arith.remsi %add3A_260, %rem3A : i32
      %ge3A = arith.constant 8 : i32
      %ge3A_262 = arith.cmpi sge, %add3A_260, %ge3A : i32
      %convert_element_type3A_263 = arith.extui %ge3A_262 : i1 to i32
      %cond3A_264 = arith.constant 0 : i32
      %cond3A_265 = arith.cmpi ne, %convert_element_type3A_263, %cond3A_264 : i32
      scf.if %cond3A_265 {
        %mul3A_423 = arith.constant 64 : i32
        %mul3A_424 = arith.muli %add3A_242, %mul3A_423 : i32
        %add3A_425 = arith.addi %mul3A_4, %mul3A_424 : i32
        %dma_wait3A_426 = tpu.memref_slice %arg10[%rem3A_261] : memref<8x!tpu.dma_semaphore, #tpu.memory_space<semaphore_mem>> -> memref<1x!tpu.dma_semaphore, #tpu.memory_space<semaphore_mem>>
        %dma_wait3A_427 = tpu.memref_squeeze %dma_wait3A_426 : memref<1x!tpu.dma_semaphore, #tpu.memory_space<semaphore_mem>> -> memref<!tpu.dma_semaphore, #tpu.memory_space<semaphore_mem>>
        %dma_wait3A_428 = arith.constant 0 : i32
        %dma_wait3A_429 = tpu.memref_slice %arg4[%add3A_425, %dma_wait3A_428] : memref<204800x128xf32, #tpu.memory_space<hbm>> -> memref<64x128xf32, #tpu.memory_space<hbm>>
        %dma_wait3A_430 = arith.constant 0 : i32
        %dma_wait3A_431 = arith.constant 0 : i32
        %dma_wait3A_432 = tpu.memref_slice %arg7[%arg1, %rem3A_261, %dma_wait3A_430, %dma_wait3A_431] : memref<16x8x64x128xf32, #tpu.memory_space<vmem_shared>> -> memref<1x1x64x128xf32, #tpu.memory_space<vmem_shared>>
        %dma_wait3A_433 = tpu.memref_squeeze %dma_wait3A_432 : memref<1x1x64x128xf32, #tpu.memory_space<vmem_shared>> -> memref<64x128xf32, #tpu.memory_space<vmem_shared>>
        tpu.wait_dma2 semaphore(%dma_wait3A_427 : memref<!tpu.dma_semaphore, #tpu.memory_space<semaphore_mem>>) src(%dma_wait3A_433 : memref<64x128xf32, #tpu.memory_space<vmem_shared>>) dst(%dma_wait3A_429 : memref<64x128xf32, #tpu.memory_space<hbm>>)
      } else {
      }
      %run_scoped3A = arith.constant 1 : i32
      "tpu.region"() ({
        %run_scoped3A_423 = tpu.sem_alloc : memref<!tpu.dma_semaphore, #tpu.memory_space<semaphore_mem>>
        %dma_start3A_424 = arith.constant 0 : i32
        %dma_start3A_425 = arith.constant 0 : i32
        %dma_start3A_426 = tpu.memref_slice %arg6[%run_scoped3A, %dma_start3A_424, %dma_start3A_425] : memref<5x64x128xf32, #tpu.memory_space<vmem>> -> memref<1x64x128xf32, #tpu.memory_space<vmem>>
        %dma_start3A_427 = tpu.memref_squeeze %dma_start3A_426 : memref<1x64x128xf32, #tpu.memory_space<vmem>> -> memref<64x128xf32, #tpu.memory_space<vmem>>
        %dma_start3A_428 = arith.constant 0 : i32
        %dma_start3A_429 = arith.constant 0 : i32
        %dma_start3A_430 = tpu.memref_slice %arg7[%arg1, %rem3A_261, %dma_start3A_428, %dma_start3A_429] : memref<16x8x64x128xf32, #tpu.memory_space<vmem_shared>> -> memref<1x1x64x128xf32, #tpu.memory_space<vmem_shared>>
        %dma_start3A_431 = tpu.memref_squeeze %dma_start3A_430 : memref<1x1x64x128xf32, #tpu.memory_space<vmem_shared>> -> memref<64x128xf32, #tpu.memory_space<vmem_shared>>
        %dma_start3A_432 = arith.constant 0 : i32
        %dma_start3A_433 = arith.constant 0 : i32
        %dma_start3A_434 = tpu.memref_slice %arg7[%arg1, %rem3A_261, %dma_start3A_432, %dma_start3A_433] : memref<16x8x64x128xf32, #tpu.memory_space<vmem_shared>> -> memref<1x1x64x128xf32, #tpu.memory_space<vmem_shared>>
        %dma_start3A_435 = tpu.memref_squeeze %dma_start3A_434 : memref<1x1x64x128xf32, #tpu.memory_space<vmem_shared>> -> memref<64x128xf32, #tpu.memory_space<vmem_shared>>
        %dma_start3A_436 = arith.constant 0 : i32
        %dma_start3A_437 = arith.constant 0 : i32
        %dma_start3A_438 = tpu.memref_slice %arg6[%run_scoped3A, %dma_start3A_436, %dma_start3A_437] : memref<5x64x128xf32, #tpu.memory_space<vmem>> -> memref<1x64x128xf32, #tpu.memory_space<vmem>>
        %dma_start3A_439 = tpu.memref_squeeze %dma_start3A_438 : memref<1x64x128xf32, #tpu.memory_space<vmem>> -> memref<64x128xf32, #tpu.memory_space<vmem>>
        tpu.enqueue_dma source(%dma_start3A_439 : memref<64x128xf32, #tpu.memory_space<vmem>>) target(%dma_start3A_435 : memref<64x128xf32, #tpu.memory_space<vmem_shared>>) target_semaphore(%run_scoped3A_423 : memref<!tpu.dma_semaphore, #tpu.memory_space<semaphore_mem>>)
        %dma_wait3A_440 = arith.constant 0 : i32
        %dma_wait3A_441 = arith.constant 0 : i32
        %dma_wait3A_442 = tpu.memref_slice %arg6[%run_scoped3A, %dma_wait3A_440, %dma_wait3A_441] : memref<5x64x128xf32, #tpu.memory_space<vmem>> -> memref<1x64x128xf32, #tpu.memory_space<vmem>>
        %dma_wait3A_443 = tpu.memref_squeeze %dma_wait3A_442 : memref<1x64x128xf32, #tpu.memory_space<vmem>> -> memref<64x128xf32, #tpu.memory_space<vmem>>
        %dma_wait3A_444 = arith.constant 0 : i32
        %dma_wait3A_445 = arith.constant 0 : i32
        %dma_wait3A_446 = tpu.memref_slice %arg7[%arg1, %rem3A_261, %dma_wait3A_444, %dma_wait3A_445] : memref<16x8x64x128xf32, #tpu.memory_space<vmem_shared>> -> memref<1x1x64x128xf32, #tpu.memory_space<vmem_shared>>
        %dma_wait3A_447 = tpu.memref_squeeze %dma_wait3A_446 : memref<1x1x64x128xf32, #tpu.memory_space<vmem_shared>> -> memref<64x128xf32, #tpu.memory_space<vmem_shared>>
        %dma_wait3A_448 = arith.constant 0 : i32
        %dma_wait3A_449 = arith.constant 0 : i32
        %dma_wait3A_450 = tpu.memref_slice %arg7[%arg1, %rem3A_261, %dma_wait3A_448, %dma_wait3A_449] : memref<16x8x64x128xf32, #tpu.memory_space<vmem_shared>> -> memref<1x1x64x128xf32, #tpu.memory_space<vmem_shared>>
        %dma_wait3A_451 = tpu.memref_squeeze %dma_wait3A_450 : memref<1x1x64x128xf32, #tpu.memory_space<vmem_shared>> -> memref<64x128xf32, #tpu.memory_space<vmem_shared>>
        %dma_wait3A_452 = arith.constant 0 : i32
        %dma_wait3A_453 = arith.constant 0 : i32
        %dma_wait3A_454 = tpu.memref_slice %arg6[%run_scoped3A, %dma_wait3A_452, %dma_wait3A_453] : memref<5x64x128xf32, #tpu.memory_space<vmem>> -> memref<1x64x128xf32, #tpu.memory_space<vmem>>
        %dma_wait3A_455 = tpu.memref_squeeze %dma_wait3A_454 : memref<1x64x128xf32, #tpu.memory_space<vmem>> -> memref<64x128xf32, #tpu.memory_space<vmem>>
        tpu.wait_dma2 semaphore(%run_scoped3A_423 : memref<!tpu.dma_semaphore, #tpu.memory_space<semaphore_mem>>) src(%dma_wait3A_455 : memref<64x128xf32, #tpu.memory_space<vmem>>) dst(%dma_wait3A_451 : memref<64x128xf32, #tpu.memory_space<vmem_shared>>)
        tpu.yield
      }) : () -> ()
      %mul3A_266 = arith.constant 64 : i32
      %mul3A_267 = arith.muli %add3A_242, %mul3A_266 : i32
      %add3A_268 = arith.addi %mul3A_4, %mul3A_267 : i32
      %dma_start3A_269 = tpu.memref_slice %arg10[%rem3A_261] : memref<8x!tpu.dma_semaphore, #tpu.memory_space<semaphore_mem>> -> memref<1x!tpu.dma_semaphore, #tpu.memory_space<semaphore_mem>>
      %dma_start3A_270 = tpu.memref_squeeze %dma_start3A_269 : memref<1x!tpu.dma_semaphore, #tpu.memory_space<semaphore_mem>> -> memref<!tpu.dma_semaphore, #tpu.memory_space<semaphore_mem>>
      %dma_start3A_271 = arith.constant 0 : i32
      %dma_start3A_272 = tpu.memref_slice %arg4[%add3A_268, %dma_start3A_271] : memref<204800x128xf32, #tpu.memory_space<hbm>> -> memref<64x128xf32, #tpu.memory_space<hbm>>
      %dma_start3A_273 = arith.constant 0 : i32
      %dma_start3A_274 = arith.constant 0 : i32
      %dma_start3A_275 = tpu.memref_slice %arg7[%arg1, %rem3A_261, %dma_start3A_273, %dma_start3A_274] : memref<16x8x64x128xf32, #tpu.memory_space<vmem_shared>> -> memref<1x1x64x128xf32, #tpu.memory_space<vmem_shared>>
      %dma_start3A_276 = tpu.memref_squeeze %dma_start3A_275 : memref<1x1x64x128xf32, #tpu.memory_space<vmem_shared>> -> memref<64x128xf32, #tpu.memory_space<vmem_shared>>
      tpu.enqueue_dma source(%dma_start3A_276 : memref<64x128xf32, #tpu.memory_space<vmem_shared>>) target(%dma_start3A_272 : memref<64x128xf32, #tpu.memory_space<hbm>>) target_semaphore(%dma_start3A_270 : memref<!tpu.dma_semaphore, #tpu.memory_space<semaphore_mem>>)
      %add3A_277 = arith.constant 1 : i32
      %add3A_278 = arith.addi %scan3A_198, %add3A_277 : i32
      %lt3A_279 = arith.constant 20 : i32
      %lt3A_280 = arith.cmpi slt, %add3A_278, %lt3A_279 : i32
      %convert_element_type3A_281 = arith.extui %lt3A_280 : i1 to i32
      %cond3A_282 = arith.constant 0 : i32
      %cond3A_283 = arith.cmpi ne, %convert_element_type3A_281, %cond3A_282 : i32
      scf.if %cond3A_283 {
        %add3A_423 = arith.constant 5 : i32
        %add3A_424 = arith.addi %add3A_242, %add3A_423 : i32
        %dma_start3A_425 = arith.constant 1 : i32
        %dma_start3A_426 = arith.constant 1 : i32
        %dma_start3A_427 = arith.constant 0 : i32
        %dma_start3A_428 = arith.constant 0 : i32
        %dma_start3A_429 = tpu.memref_slice %arg6[%dma_start3A_425, %dma_start3A_427, %dma_start3A_428] : memref<5x64x128xf32, #tpu.memory_space<vmem>> -> memref<1x64x128xf32, #tpu.memory_space<vmem>>
        %dma_start3A_430 = tpu.memref_squeeze %dma_start3A_429 : memref<1x64x128xf32, #tpu.memory_space<vmem>> -> memref<64x128xf32, #tpu.memory_space<vmem>>
        %dma_start3A_431 = arith.constant 0 : i32
        %dma_start3A_432 = tpu.memref_slice %arg5[%add3A_424, %dma_start3A_431] : memref<100x64xi32, #tpu.memory_space<vmem>> -> memref<1x64xi32, #tpu.memory_space<vmem>>
        %dma_start3A_433 = tpu.memref_squeeze %dma_start3A_432 : memref<1x64xi32, #tpu.memory_space<vmem>> -> memref<64xi32, #tpu.memory_space<vmem>>
        %dma_start3A_434 = arith.constant 0 : i32
        %dma_start3A_435 = arith.constant 0 : i32
        %dma_start3A_436 = tpu.memref_slice %arg2[%dma_start3A_434, %dma_start3A_435] : memref<100000x128xf32, #tpu.memory_space<hbm>> -> memref<100000x128xf32, #tpu.memory_space<hbm>>
        %dma_start3A_437 = tpu.memref_slice %arg8[%dma_start3A_426] : memref<5x!tpu.dma_semaphore, #tpu.memory_space<semaphore_mem>> -> memref<1x!tpu.dma_semaphore, #tpu.memory_space<semaphore_mem>>
        %dma_start3A_438 = tpu.memref_squeeze %dma_start3A_437 : memref<1x!tpu.dma_semaphore, #tpu.memory_space<semaphore_mem>> -> memref<!tpu.dma_semaphore, #tpu.memory_space<semaphore_mem>>
        tpu.enqueue_indirect_dma source(%dma_start3A_436 : memref<100000x128xf32, #tpu.memory_space<hbm>>) target(%dma_start3A_430 : memref<64x128xf32, #tpu.memory_space<vmem>>) offsets(%dma_start3A_433 : memref<64xi32, #tpu.memory_space<vmem>>) semaphore(%dma_start3A_438 : memref<!tpu.dma_semaphore, #tpu.memory_space<semaphore_mem>>)
      } else {
      }
      %add3A_284 = arith.constant 2 : i32
      %add3A_285 = arith.addi %mul3A_201, %add3A_284 : i32
      %dma_wait3A_286 = arith.constant 2 : i32
      %dma_wait3A_287 = arith.constant 2 : i32
      %dma_wait3A_288 = arith.constant 0 : i32
      %dma_wait3A_289 = arith.constant 0 : i32
      %dma_wait3A_290 = tpu.memref_slice %arg6[%dma_wait3A_286, %dma_wait3A_288, %dma_wait3A_289] : memref<5x64x128xf32, #tpu.memory_space<vmem>> -> memref<1x64x128xf32, #tpu.memory_space<vmem>>
      %dma_wait3A_291 = tpu.memref_squeeze %dma_wait3A_290 : memref<1x64x128xf32, #tpu.memory_space<vmem>> -> memref<64x128xf32, #tpu.memory_space<vmem>>
      %dma_wait3A_292 = arith.constant 0 : i32
      %dma_wait3A_293 = tpu.memref_slice %arg5[%add3A_285, %dma_wait3A_292] : memref<100x64xi32, #tpu.memory_space<vmem>> -> memref<1x64xi32, #tpu.memory_space<vmem>>
      %dma_wait3A_294 = tpu.memref_squeeze %dma_wait3A_293 : memref<1x64xi32, #tpu.memory_space<vmem>> -> memref<64xi32, #tpu.memory_space<vmem>>
      %dma_wait3A_295 = arith.constant 0 : i32
      %dma_wait3A_296 = arith.constant 0 : i32
      %dma_wait3A_297 = tpu.memref_slice %arg2[%dma_wait3A_295, %dma_wait3A_296] : memref<100000x128xf32, #tpu.memory_space<hbm>> -> memref<100000x128xf32, #tpu.memory_space<hbm>>
      %dma_wait3A_298 = tpu.memref_slice %arg8[%dma_wait3A_287] : memref<5x!tpu.dma_semaphore, #tpu.memory_space<semaphore_mem>> -> memref<1x!tpu.dma_semaphore, #tpu.memory_space<semaphore_mem>>
      %dma_wait3A_299 = tpu.memref_squeeze %dma_wait3A_298 : memref<1x!tpu.dma_semaphore, #tpu.memory_space<semaphore_mem>> -> memref<!tpu.dma_semaphore, #tpu.memory_space<semaphore_mem>>
      tpu.wait_indirect_dma semaphore(%dma_wait3A_299 : memref<!tpu.dma_semaphore, #tpu.memory_space<semaphore_mem>>) src(%dma_wait3A_297 : memref<100000x128xf32, #tpu.memory_space<hbm>>) dst(%dma_wait3A_291 : memref<64x128xf32, #tpu.memory_space<vmem>>)
      %mul3A_300 = arith.constant 4 : i32
      %mul3A_301 = arith.muli %mul3A_300, %scan3A_198 : i32
      %add3A_302 = arith.constant 1 : i32
      %add3A_303 = arith.addi %mul3A_301, %add3A_302 : i32
      %rem3A_304 = arith.constant 8 : i32
      %rem3A_305 = arith.remsi %add3A_303, %rem3A_304 : i32
      %ge3A_306 = arith.constant 8 : i32
      %ge3A_307 = arith.cmpi sge, %add3A_303, %ge3A_306 : i32
      %convert_element_type3A_308 = arith.extui %ge3A_307 : i1 to i32
      %cond3A_309 = arith.constant 0 : i32
      %cond3A_310 = arith.cmpi ne, %convert_element_type3A_308, %cond3A_309 : i32
      scf.if %cond3A_310 {
        %mul3A_423 = arith.constant 64 : i32
        %mul3A_424 = arith.muli %add3A_285, %mul3A_423 : i32
        %add3A_425 = arith.addi %mul3A_4, %mul3A_424 : i32
        %dma_wait3A_426 = tpu.memref_slice %arg10[%rem3A_305] : memref<8x!tpu.dma_semaphore, #tpu.memory_space<semaphore_mem>> -> memref<1x!tpu.dma_semaphore, #tpu.memory_space<semaphore_mem>>
        %dma_wait3A_427 = tpu.memref_squeeze %dma_wait3A_426 : memref<1x!tpu.dma_semaphore, #tpu.memory_space<semaphore_mem>> -> memref<!tpu.dma_semaphore, #tpu.memory_space<semaphore_mem>>
        %dma_wait3A_428 = arith.constant 0 : i32
        %dma_wait3A_429 = tpu.memref_slice %arg4[%add3A_425, %dma_wait3A_428] : memref<204800x128xf32, #tpu.memory_space<hbm>> -> memref<64x128xf32, #tpu.memory_space<hbm>>
        %dma_wait3A_430 = arith.constant 0 : i32
        %dma_wait3A_431 = arith.constant 0 : i32
        %dma_wait3A_432 = tpu.memref_slice %arg7[%arg1, %rem3A_305, %dma_wait3A_430, %dma_wait3A_431] : memref<16x8x64x128xf32, #tpu.memory_space<vmem_shared>> -> memref<1x1x64x128xf32, #tpu.memory_space<vmem_shared>>
        %dma_wait3A_433 = tpu.memref_squeeze %dma_wait3A_432 : memref<1x1x64x128xf32, #tpu.memory_space<vmem_shared>> -> memref<64x128xf32, #tpu.memory_space<vmem_shared>>
        tpu.wait_dma2 semaphore(%dma_wait3A_427 : memref<!tpu.dma_semaphore, #tpu.memory_space<semaphore_mem>>) src(%dma_wait3A_433 : memref<64x128xf32, #tpu.memory_space<vmem_shared>>) dst(%dma_wait3A_429 : memref<64x128xf32, #tpu.memory_space<hbm>>)
      } else {
      }
      %run_scoped3A_311 = arith.constant 2 : i32
      "tpu.region"() ({
        %run_scoped3A_423 = tpu.sem_alloc : memref<!tpu.dma_semaphore, #tpu.memory_space<semaphore_mem>>
        %dma_start3A_424 = arith.constant 0 : i32
        %dma_start3A_425 = arith.constant 0 : i32
        %dma_start3A_426 = tpu.memref_slice %arg6[%run_scoped3A_311, %dma_start3A_424, %dma_start3A_425] : memref<5x64x128xf32, #tpu.memory_space<vmem>> -> memref<1x64x128xf32, #tpu.memory_space<vmem>>
        %dma_start3A_427 = tpu.memref_squeeze %dma_start3A_426 : memref<1x64x128xf32, #tpu.memory_space<vmem>> -> memref<64x128xf32, #tpu.memory_space<vmem>>
        %dma_start3A_428 = arith.constant 0 : i32
        %dma_start3A_429 = arith.constant 0 : i32
        %dma_start3A_430 = tpu.memref_slice %arg7[%arg1, %rem3A_305, %dma_start3A_428, %dma_start3A_429] : memref<16x8x64x128xf32, #tpu.memory_space<vmem_shared>> -> memref<1x1x64x128xf32, #tpu.memory_space<vmem_shared>>
        %dma_start3A_431 = tpu.memref_squeeze %dma_start3A_430 : memref<1x1x64x128xf32, #tpu.memory_space<vmem_shared>> -> memref<64x128xf32, #tpu.memory_space<vmem_shared>>
        %dma_start3A_432 = arith.constant 0 : i32
        %dma_start3A_433 = arith.constant 0 : i32
        %dma_start3A_434 = tpu.memref_slice %arg7[%arg1, %rem3A_305, %dma_start3A_432, %dma_start3A_433] : memref<16x8x64x128xf32, #tpu.memory_space<vmem_shared>> -> memref<1x1x64x128xf32, #tpu.memory_space<vmem_shared>>
        %dma_start3A_435 = tpu.memref_squeeze %dma_start3A_434 : memref<1x1x64x128xf32, #tpu.memory_space<vmem_shared>> -> memref<64x128xf32, #tpu.memory_space<vmem_shared>>
        %dma_start3A_436 = arith.constant 0 : i32
        %dma_start3A_437 = arith.constant 0 : i32
        %dma_start3A_438 = tpu.memref_slice %arg6[%run_scoped3A_311, %dma_start3A_436, %dma_start3A_437] : memref<5x64x128xf32, #tpu.memory_space<vmem>> -> memref<1x64x128xf32, #tpu.memory_space<vmem>>
        %dma_start3A_439 = tpu.memref_squeeze %dma_start3A_438 : memref<1x64x128xf32, #tpu.memory_space<vmem>> -> memref<64x128xf32, #tpu.memory_space<vmem>>
        tpu.enqueue_dma source(%dma_start3A_439 : memref<64x128xf32, #tpu.memory_space<vmem>>) target(%dma_start3A_435 : memref<64x128xf32, #tpu.memory_space<vmem_shared>>) target_semaphore(%run_scoped3A_423 : memref<!tpu.dma_semaphore, #tpu.memory_space<semaphore_mem>>)
        %dma_wait3A_440 = arith.constant 0 : i32
        %dma_wait3A_441 = arith.constant 0 : i32
        %dma_wait3A_442 = tpu.memref_slice %arg6[%run_scoped3A_311, %dma_wait3A_440, %dma_wait3A_441] : memref<5x64x128xf32, #tpu.memory_space<vmem>> -> memref<1x64x128xf32, #tpu.memory_space<vmem>>
        %dma_wait3A_443 = tpu.memref_squeeze %dma_wait3A_442 : memref<1x64x128xf32, #tpu.memory_space<vmem>> -> memref<64x128xf32, #tpu.memory_space<vmem>>
        %dma_wait3A_444 = arith.constant 0 : i32
        %dma_wait3A_445 = arith.constant 0 : i32
        %dma_wait3A_446 = tpu.memref_slice %arg7[%arg1, %rem3A_305, %dma_wait3A_444, %dma_wait3A_445] : memref<16x8x64x128xf32, #tpu.memory_space<vmem_shared>> -> memref<1x1x64x128xf32, #tpu.memory_space<vmem_shared>>
        %dma_wait3A_447 = tpu.memref_squeeze %dma_wait3A_446 : memref<1x1x64x128xf32, #tpu.memory_space<vmem_shared>> -> memref<64x128xf32, #tpu.memory_space<vmem_shared>>
        %dma_wait3A_448 = arith.constant 0 : i32
        %dma_wait3A_449 = arith.constant 0 : i32
        %dma_wait3A_450 = tpu.memref_slice %arg7[%arg1, %rem3A_305, %dma_wait3A_448, %dma_wait3A_449] : memref<16x8x64x128xf32, #tpu.memory_space<vmem_shared>> -> memref<1x1x64x128xf32, #tpu.memory_space<vmem_shared>>
        %dma_wait3A_451 = tpu.memref_squeeze %dma_wait3A_450 : memref<1x1x64x128xf32, #tpu.memory_space<vmem_shared>> -> memref<64x128xf32, #tpu.memory_space<vmem_shared>>
        %dma_wait3A_452 = arith.constant 0 : i32
        %dma_wait3A_453 = arith.constant 0 : i32
        %dma_wait3A_454 = tpu.memref_slice %arg6[%run_scoped3A_311, %dma_wait3A_452, %dma_wait3A_453] : memref<5x64x128xf32, #tpu.memory_space<vmem>> -> memref<1x64x128xf32, #tpu.memory_space<vmem>>
        %dma_wait3A_455 = tpu.memref_squeeze %dma_wait3A_454 : memref<1x64x128xf32, #tpu.memory_space<vmem>> -> memref<64x128xf32, #tpu.memory_space<vmem>>
        tpu.wait_dma2 semaphore(%run_scoped3A_423 : memref<!tpu.dma_semaphore, #tpu.memory_space<semaphore_mem>>) src(%dma_wait3A_455 : memref<64x128xf32, #tpu.memory_space<vmem>>) dst(%dma_wait3A_451 : memref<64x128xf32, #tpu.memory_space<vmem_shared>>)
        tpu.yield
      }) : () -> ()
      %mul3A_312 = arith.constant 64 : i32
      %mul3A_313 = arith.muli %add3A_285, %mul3A_312 : i32
      %add3A_314 = arith.addi %mul3A_4, %mul3A_313 : i32
      %dma_start3A_315 = tpu.memref_slice %arg10[%rem3A_305] : memref<8x!tpu.dma_semaphore, #tpu.memory_space<semaphore_mem>> -> memref<1x!tpu.dma_semaphore, #tpu.memory_space<semaphore_mem>>
      %dma_start3A_316 = tpu.memref_squeeze %dma_start3A_315 : memref<1x!tpu.dma_semaphore, #tpu.memory_space<semaphore_mem>> -> memref<!tpu.dma_semaphore, #tpu.memory_space<semaphore_mem>>
      %dma_start3A_317 = arith.constant 0 : i32
      %dma_start3A_318 = tpu.memref_slice %arg4[%add3A_314, %dma_start3A_317] : memref<204800x128xf32, #tpu.memory_space<hbm>> -> memref<64x128xf32, #tpu.memory_space<hbm>>
      %dma_start3A_319 = arith.constant 0 : i32
      %dma_start3A_320 = arith.constant 0 : i32
      %dma_start3A_321 = tpu.memref_slice %arg7[%arg1, %rem3A_305, %dma_start3A_319, %dma_start3A_320] : memref<16x8x64x128xf32, #tpu.memory_space<vmem_shared>> -> memref<1x1x64x128xf32, #tpu.memory_space<vmem_shared>>
      %dma_start3A_322 = tpu.memref_squeeze %dma_start3A_321 : memref<1x1x64x128xf32, #tpu.memory_space<vmem_shared>> -> memref<64x128xf32, #tpu.memory_space<vmem_shared>>
      tpu.enqueue_dma source(%dma_start3A_322 : memref<64x128xf32, #tpu.memory_space<vmem_shared>>) target(%dma_start3A_318 : memref<64x128xf32, #tpu.memory_space<hbm>>) target_semaphore(%dma_start3A_316 : memref<!tpu.dma_semaphore, #tpu.memory_space<semaphore_mem>>)
      %add3A_323 = arith.constant 1 : i32
      %add3A_324 = arith.addi %scan3A_198, %add3A_323 : i32
      %lt3A_325 = arith.constant 20 : i32
      %lt3A_326 = arith.cmpi slt, %add3A_324, %lt3A_325 : i32
      %convert_element_type3A_327 = arith.extui %lt3A_326 : i1 to i32
      %cond3A_328 = arith.constant 0 : i32
      %cond3A_329 = arith.cmpi ne, %convert_element_type3A_327, %cond3A_328 : i32
      scf.if %cond3A_329 {
        %add3A_423 = arith.constant 5 : i32
        %add3A_424 = arith.addi %add3A_285, %add3A_423 : i32
        %dma_start3A_425 = arith.constant 2 : i32
        %dma_start3A_426 = arith.constant 2 : i32
        %dma_start3A_427 = arith.constant 0 : i32
        %dma_start3A_428 = arith.constant 0 : i32
        %dma_start3A_429 = tpu.memref_slice %arg6[%dma_start3A_425, %dma_start3A_427, %dma_start3A_428] : memref<5x64x128xf32, #tpu.memory_space<vmem>> -> memref<1x64x128xf32, #tpu.memory_space<vmem>>
        %dma_start3A_430 = tpu.memref_squeeze %dma_start3A_429 : memref<1x64x128xf32, #tpu.memory_space<vmem>> -> memref<64x128xf32, #tpu.memory_space<vmem>>
        %dma_start3A_431 = arith.constant 0 : i32
        %dma_start3A_432 = tpu.memref_slice %arg5[%add3A_424, %dma_start3A_431] : memref<100x64xi32, #tpu.memory_space<vmem>> -> memref<1x64xi32, #tpu.memory_space<vmem>>
        %dma_start3A_433 = tpu.memref_squeeze %dma_start3A_432 : memref<1x64xi32, #tpu.memory_space<vmem>> -> memref<64xi32, #tpu.memory_space<vmem>>
        %dma_start3A_434 = arith.constant 0 : i32
        %dma_start3A_435 = arith.constant 0 : i32
        %dma_start3A_436 = tpu.memref_slice %arg2[%dma_start3A_434, %dma_start3A_435] : memref<100000x128xf32, #tpu.memory_space<hbm>> -> memref<100000x128xf32, #tpu.memory_space<hbm>>
        %dma_start3A_437 = tpu.memref_slice %arg8[%dma_start3A_426] : memref<5x!tpu.dma_semaphore, #tpu.memory_space<semaphore_mem>> -> memref<1x!tpu.dma_semaphore, #tpu.memory_space<semaphore_mem>>
        %dma_start3A_438 = tpu.memref_squeeze %dma_start3A_437 : memref<1x!tpu.dma_semaphore, #tpu.memory_space<semaphore_mem>> -> memref<!tpu.dma_semaphore, #tpu.memory_space<semaphore_mem>>
        tpu.enqueue_indirect_dma source(%dma_start3A_436 : memref<100000x128xf32, #tpu.memory_space<hbm>>) target(%dma_start3A_430 : memref<64x128xf32, #tpu.memory_space<vmem>>) offsets(%dma_start3A_433 : memref<64xi32, #tpu.memory_space<vmem>>) semaphore(%dma_start3A_438 : memref<!tpu.dma_semaphore, #tpu.memory_space<semaphore_mem>>)
      } else {
      }
      %add3A_330 = arith.constant 3 : i32
      %add3A_331 = arith.addi %mul3A_201, %add3A_330 : i32
      %dma_wait3A_332 = arith.constant 3 : i32
      %dma_wait3A_333 = arith.constant 3 : i32
      %dma_wait3A_334 = arith.constant 0 : i32
      %dma_wait3A_335 = arith.constant 0 : i32
      %dma_wait3A_336 = tpu.memref_slice %arg6[%dma_wait3A_332, %dma_wait3A_334, %dma_wait3A_335] : memref<5x64x128xf32, #tpu.memory_space<vmem>> -> memref<1x64x128xf32, #tpu.memory_space<vmem>>
      %dma_wait3A_337 = tpu.memref_squeeze %dma_wait3A_336 : memref<1x64x128xf32, #tpu.memory_space<vmem>> -> memref<64x128xf32, #tpu.memory_space<vmem>>
      %dma_wait3A_338 = arith.constant 0 : i32
      %dma_wait3A_339 = tpu.memref_slice %arg5[%add3A_331, %dma_wait3A_338] : memref<100x64xi32, #tpu.memory_space<vmem>> -> memref<1x64xi32, #tpu.memory_space<vmem>>
      %dma_wait3A_340 = tpu.memref_squeeze %dma_wait3A_339 : memref<1x64xi32, #tpu.memory_space<vmem>> -> memref<64xi32, #tpu.memory_space<vmem>>
      %dma_wait3A_341 = arith.constant 0 : i32
      %dma_wait3A_342 = arith.constant 0 : i32
      %dma_wait3A_343 = tpu.memref_slice %arg2[%dma_wait3A_341, %dma_wait3A_342] : memref<100000x128xf32, #tpu.memory_space<hbm>> -> memref<100000x128xf32, #tpu.memory_space<hbm>>
      %dma_wait3A_344 = tpu.memref_slice %arg8[%dma_wait3A_333] : memref<5x!tpu.dma_semaphore, #tpu.memory_space<semaphore_mem>> -> memref<1x!tpu.dma_semaphore, #tpu.memory_space<semaphore_mem>>
      %dma_wait3A_345 = tpu.memref_squeeze %dma_wait3A_344 : memref<1x!tpu.dma_semaphore, #tpu.memory_space<semaphore_mem>> -> memref<!tpu.dma_semaphore, #tpu.memory_space<semaphore_mem>>
      tpu.wait_indirect_dma semaphore(%dma_wait3A_345 : memref<!tpu.dma_semaphore, #tpu.memory_space<semaphore_mem>>) src(%dma_wait3A_343 : memref<100000x128xf32, #tpu.memory_space<hbm>>) dst(%dma_wait3A_337 : memref<64x128xf32, #tpu.memory_space<vmem>>)
      %mul3A_346 = arith.constant 4 : i32
      %mul3A_347 = arith.muli %mul3A_346, %scan3A_198 : i32
      %add3A_348 = arith.constant 2 : i32
      %add3A_349 = arith.addi %mul3A_347, %add3A_348 : i32
      %rem3A_350 = arith.constant 8 : i32
      %rem3A_351 = arith.remsi %add3A_349, %rem3A_350 : i32
      %ge3A_352 = arith.constant 8 : i32
      %ge3A_353 = arith.cmpi sge, %add3A_349, %ge3A_352 : i32
      %convert_element_type3A_354 = arith.extui %ge3A_353 : i1 to i32
      %cond3A_355 = arith.constant 0 : i32
      %cond3A_356 = arith.cmpi ne, %convert_element_type3A_354, %cond3A_355 : i32
      scf.if %cond3A_356 {
        %mul3A_423 = arith.constant 64 : i32
        %mul3A_424 = arith.muli %add3A_331, %mul3A_423 : i32
        %add3A_425 = arith.addi %mul3A_4, %mul3A_424 : i32
        %dma_wait3A_426 = tpu.memref_slice %arg10[%rem3A_351] : memref<8x!tpu.dma_semaphore, #tpu.memory_space<semaphore_mem>> -> memref<1x!tpu.dma_semaphore, #tpu.memory_space<semaphore_mem>>
        %dma_wait3A_427 = tpu.memref_squeeze %dma_wait3A_426 : memref<1x!tpu.dma_semaphore, #tpu.memory_space<semaphore_mem>> -> memref<!tpu.dma_semaphore, #tpu.memory_space<semaphore_mem>>
        %dma_wait3A_428 = arith.constant 0 : i32
        %dma_wait3A_429 = tpu.memref_slice %arg4[%add3A_425, %dma_wait3A_428] : memref<204800x128xf32, #tpu.memory_space<hbm>> -> memref<64x128xf32, #tpu.memory_space<hbm>>
        %dma_wait3A_430 = arith.constant 0 : i32
        %dma_wait3A_431 = arith.constant 0 : i32
        %dma_wait3A_432 = tpu.memref_slice %arg7[%arg1, %rem3A_351, %dma_wait3A_430, %dma_wait3A_431] : memref<16x8x64x128xf32, #tpu.memory_space<vmem_shared>> -> memref<1x1x64x128xf32, #tpu.memory_space<vmem_shared>>
        %dma_wait3A_433 = tpu.memref_squeeze %dma_wait3A_432 : memref<1x1x64x128xf32, #tpu.memory_space<vmem_shared>> -> memref<64x128xf32, #tpu.memory_space<vmem_shared>>
        tpu.wait_dma2 semaphore(%dma_wait3A_427 : memref<!tpu.dma_semaphore, #tpu.memory_space<semaphore_mem>>) src(%dma_wait3A_433 : memref<64x128xf32, #tpu.memory_space<vmem_shared>>) dst(%dma_wait3A_429 : memref<64x128xf32, #tpu.memory_space<hbm>>)
      } else {
      }
      %run_scoped3A_357 = arith.constant 3 : i32
      "tpu.region"() ({
        %run_scoped3A_423 = tpu.sem_alloc : memref<!tpu.dma_semaphore, #tpu.memory_space<semaphore_mem>>
        %dma_start3A_424 = arith.constant 0 : i32
        %dma_start3A_425 = arith.constant 0 : i32
        %dma_start3A_426 = tpu.memref_slice %arg6[%run_scoped3A_357, %dma_start3A_424, %dma_start3A_425] : memref<5x64x128xf32, #tpu.memory_space<vmem>> -> memref<1x64x128xf32, #tpu.memory_space<vmem>>
        %dma_start3A_427 = tpu.memref_squeeze %dma_start3A_426 : memref<1x64x128xf32, #tpu.memory_space<vmem>> -> memref<64x128xf32, #tpu.memory_space<vmem>>
        %dma_start3A_428 = arith.constant 0 : i32
        %dma_start3A_429 = arith.constant 0 : i32
        %dma_start3A_430 = tpu.memref_slice %arg7[%arg1, %rem3A_351, %dma_start3A_428, %dma_start3A_429] : memref<16x8x64x128xf32, #tpu.memory_space<vmem_shared>> -> memref<1x1x64x128xf32, #tpu.memory_space<vmem_shared>>
        %dma_start3A_431 = tpu.memref_squeeze %dma_start3A_430 : memref<1x1x64x128xf32, #tpu.memory_space<vmem_shared>> -> memref<64x128xf32, #tpu.memory_space<vmem_shared>>
        %dma_start3A_432 = arith.constant 0 : i32
        %dma_start3A_433 = arith.constant 0 : i32
        %dma_start3A_434 = tpu.memref_slice %arg7[%arg1, %rem3A_351, %dma_start3A_432, %dma_start3A_433] : memref<16x8x64x128xf32, #tpu.memory_space<vmem_shared>> -> memref<1x1x64x128xf32, #tpu.memory_space<vmem_shared>>
        %dma_start3A_435 = tpu.memref_squeeze %dma_start3A_434 : memref<1x1x64x128xf32, #tpu.memory_space<vmem_shared>> -> memref<64x128xf32, #tpu.memory_space<vmem_shared>>
        %dma_start3A_436 = arith.constant 0 : i32
        %dma_start3A_437 = arith.constant 0 : i32
        %dma_start3A_438 = tpu.memref_slice %arg6[%run_scoped3A_357, %dma_start3A_436, %dma_start3A_437] : memref<5x64x128xf32, #tpu.memory_space<vmem>> -> memref<1x64x128xf32, #tpu.memory_space<vmem>>
        %dma_start3A_439 = tpu.memref_squeeze %dma_start3A_438 : memref<1x64x128xf32, #tpu.memory_space<vmem>> -> memref<64x128xf32, #tpu.memory_space<vmem>>
        tpu.enqueue_dma source(%dma_start3A_439 : memref<64x128xf32, #tpu.memory_space<vmem>>) target(%dma_start3A_435 : memref<64x128xf32, #tpu.memory_space<vmem_shared>>) target_semaphore(%run_scoped3A_423 : memref<!tpu.dma_semaphore, #tpu.memory_space<semaphore_mem>>)
        %dma_wait3A_440 = arith.constant 0 : i32
        %dma_wait3A_441 = arith.constant 0 : i32
        %dma_wait3A_442 = tpu.memref_slice %arg6[%run_scoped3A_357, %dma_wait3A_440, %dma_wait3A_441] : memref<5x64x128xf32, #tpu.memory_space<vmem>> -> memref<1x64x128xf32, #tpu.memory_space<vmem>>
        %dma_wait3A_443 = tpu.memref_squeeze %dma_wait3A_442 : memref<1x64x128xf32, #tpu.memory_space<vmem>> -> memref<64x128xf32, #tpu.memory_space<vmem>>
        %dma_wait3A_444 = arith.constant 0 : i32
        %dma_wait3A_445 = arith.constant 0 : i32
        %dma_wait3A_446 = tpu.memref_slice %arg7[%arg1, %rem3A_351, %dma_wait3A_444, %dma_wait3A_445] : memref<16x8x64x128xf32, #tpu.memory_space<vmem_shared>> -> memref<1x1x64x128xf32, #tpu.memory_space<vmem_shared>>
        %dma_wait3A_447 = tpu.memref_squeeze %dma_wait3A_446 : memref<1x1x64x128xf32, #tpu.memory_space<vmem_shared>> -> memref<64x128xf32, #tpu.memory_space<vmem_shared>>
        %dma_wait3A_448 = arith.constant 0 : i32
        %dma_wait3A_449 = arith.constant 0 : i32
        %dma_wait3A_450 = tpu.memref_slice %arg7[%arg1, %rem3A_351, %dma_wait3A_448, %dma_wait3A_449] : memref<16x8x64x128xf32, #tpu.memory_space<vmem_shared>> -> memref<1x1x64x128xf32, #tpu.memory_space<vmem_shared>>
        %dma_wait3A_451 = tpu.memref_squeeze %dma_wait3A_450 : memref<1x1x64x128xf32, #tpu.memory_space<vmem_shared>> -> memref<64x128xf32, #tpu.memory_space<vmem_shared>>
        %dma_wait3A_452 = arith.constant 0 : i32
        %dma_wait3A_453 = arith.constant 0 : i32
        %dma_wait3A_454 = tpu.memref_slice %arg6[%run_scoped3A_357, %dma_wait3A_452, %dma_wait3A_453] : memref<5x64x128xf32, #tpu.memory_space<vmem>> -> memref<1x64x128xf32, #tpu.memory_space<vmem>>
        %dma_wait3A_455 = tpu.memref_squeeze %dma_wait3A_454 : memref<1x64x128xf32, #tpu.memory_space<vmem>> -> memref<64x128xf32, #tpu.memory_space<vmem>>
        tpu.wait_dma2 semaphore(%run_scoped3A_423 : memref<!tpu.dma_semaphore, #tpu.memory_space<semaphore_mem>>) src(%dma_wait3A_455 : memref<64x128xf32, #tpu.memory_space<vmem>>) dst(%dma_wait3A_451 : memref<64x128xf32, #tpu.memory_space<vmem_shared>>)
        tpu.yield
      }) : () -> ()
      %mul3A_358 = arith.constant 64 : i32
      %mul3A_359 = arith.muli %add3A_331, %mul3A_358 : i32
      %add3A_360 = arith.addi %mul3A_4, %mul3A_359 : i32
      %dma_start3A_361 = tpu.memref_slice %arg10[%rem3A_351] : memref<8x!tpu.dma_semaphore, #tpu.memory_space<semaphore_mem>> -> memref<1x!tpu.dma_semaphore, #tpu.memory_space<semaphore_mem>>
      %dma_start3A_362 = tpu.memref_squeeze %dma_start3A_361 : memref<1x!tpu.dma_semaphore, #tpu.memory_space<semaphore_mem>> -> memref<!tpu.dma_semaphore, #tpu.memory_space<semaphore_mem>>
      %dma_start3A_363 = arith.constant 0 : i32
      %dma_start3A_364 = tpu.memref_slice %arg4[%add3A_360, %dma_start3A_363] : memref<204800x128xf32, #tpu.memory_space<hbm>> -> memref<64x128xf32, #tpu.memory_space<hbm>>
      %dma_start3A_365 = arith.constant 0 : i32
      %dma_start3A_366 = arith.constant 0 : i32
      %dma_start3A_367 = tpu.memref_slice %arg7[%arg1, %rem3A_351, %dma_start3A_365, %dma_start3A_366] : memref<16x8x64x128xf32, #tpu.memory_space<vmem_shared>> -> memref<1x1x64x128xf32, #tpu.memory_space<vmem_shared>>
      %dma_start3A_368 = tpu.memref_squeeze %dma_start3A_367 : memref<1x1x64x128xf32, #tpu.memory_space<vmem_shared>> -> memref<64x128xf32, #tpu.memory_space<vmem_shared>>
      tpu.enqueue_dma source(%dma_start3A_368 : memref<64x128xf32, #tpu.memory_space<vmem_shared>>) target(%dma_start3A_364 : memref<64x128xf32, #tpu.memory_space<hbm>>) target_semaphore(%dma_start3A_362 : memref<!tpu.dma_semaphore, #tpu.memory_space<semaphore_mem>>)
      %add3A_369 = arith.constant 1 : i32
      %add3A_370 = arith.addi %scan3A_198, %add3A_369 : i32
      %lt3A_371 = arith.constant 20 : i32
      %lt3A_372 = arith.cmpi slt, %add3A_370, %lt3A_371 : i32
      %convert_element_type3A_373 = arith.extui %lt3A_372 : i1 to i32
      %cond3A_374 = arith.constant 0 : i32
      %cond3A_375 = arith.cmpi ne, %convert_element_type3A_373, %cond3A_374 : i32
      scf.if %cond3A_375 {
        %add3A_423 = arith.constant 5 : i32
        %add3A_424 = arith.addi %add3A_331, %add3A_423 : i32
        %dma_start3A_425 = arith.constant 3 : i32
        %dma_start3A_426 = arith.constant 3 : i32
        %dma_start3A_427 = arith.constant 0 : i32
        %dma_start3A_428 = arith.constant 0 : i32
        %dma_start3A_429 = tpu.memref_slice %arg6[%dma_start3A_425, %dma_start3A_427, %dma_start3A_428] : memref<5x64x128xf32, #tpu.memory_space<vmem>> -> memref<1x64x128xf32, #tpu.memory_space<vmem>>
        %dma_start3A_430 = tpu.memref_squeeze %dma_start3A_429 : memref<1x64x128xf32, #tpu.memory_space<vmem>> -> memref<64x128xf32, #tpu.memory_space<vmem>>
        %dma_start3A_431 = arith.constant 0 : i32
        %dma_start3A_432 = tpu.memref_slice %arg5[%add3A_424, %dma_start3A_431] : memref<100x64xi32, #tpu.memory_space<vmem>> -> memref<1x64xi32, #tpu.memory_space<vmem>>
        %dma_start3A_433 = tpu.memref_squeeze %dma_start3A_432 : memref<1x64xi32, #tpu.memory_space<vmem>> -> memref<64xi32, #tpu.memory_space<vmem>>
        %dma_start3A_434 = arith.constant 0 : i32
        %dma_start3A_435 = arith.constant 0 : i32
        %dma_start3A_436 = tpu.memref_slice %arg2[%dma_start3A_434, %dma_start3A_435] : memref<100000x128xf32, #tpu.memory_space<hbm>> -> memref<100000x128xf32, #tpu.memory_space<hbm>>
        %dma_start3A_437 = tpu.memref_slice %arg8[%dma_start3A_426] : memref<5x!tpu.dma_semaphore, #tpu.memory_space<semaphore_mem>> -> memref<1x!tpu.dma_semaphore, #tpu.memory_space<semaphore_mem>>
        %dma_start3A_438 = tpu.memref_squeeze %dma_start3A_437 : memref<1x!tpu.dma_semaphore, #tpu.memory_space<semaphore_mem>> -> memref<!tpu.dma_semaphore, #tpu.memory_space<semaphore_mem>>
        tpu.enqueue_indirect_dma source(%dma_start3A_436 : memref<100000x128xf32, #tpu.memory_space<hbm>>) target(%dma_start3A_430 : memref<64x128xf32, #tpu.memory_space<vmem>>) offsets(%dma_start3A_433 : memref<64xi32, #tpu.memory_space<vmem>>) semaphore(%dma_start3A_438 : memref<!tpu.dma_semaphore, #tpu.memory_space<semaphore_mem>>)
      } else {
      }
      %add3A_376 = arith.constant 4 : i32
      %add3A_377 = arith.addi %mul3A_201, %add3A_376 : i32
      %dma_wait3A_378 = arith.constant 4 : i32
      %dma_wait3A_379 = arith.constant 4 : i32
      %dma_wait3A_380 = arith.constant 0 : i32
      %dma_wait3A_381 = arith.constant 0 : i32
      %dma_wait3A_382 = tpu.memref_slice %arg6[%dma_wait3A_378, %dma_wait3A_380, %dma_wait3A_381] : memref<5x64x128xf32, #tpu.memory_space<vmem>> -> memref<1x64x128xf32, #tpu.memory_space<vmem>>
      %dma_wait3A_383 = tpu.memref_squeeze %dma_wait3A_382 : memref<1x64x128xf32, #tpu.memory_space<vmem>> -> memref<64x128xf32, #tpu.memory_space<vmem>>
      %dma_wait3A_384 = arith.constant 0 : i32
      %dma_wait3A_385 = tpu.memref_slice %arg5[%add3A_377, %dma_wait3A_384] : memref<100x64xi32, #tpu.memory_space<vmem>> -> memref<1x64xi32, #tpu.memory_space<vmem>>
      %dma_wait3A_386 = tpu.memref_squeeze %dma_wait3A_385 : memref<1x64xi32, #tpu.memory_space<vmem>> -> memref<64xi32, #tpu.memory_space<vmem>>
      %dma_wait3A_387 = arith.constant 0 : i32
      %dma_wait3A_388 = arith.constant 0 : i32
      %dma_wait3A_389 = tpu.memref_slice %arg2[%dma_wait3A_387, %dma_wait3A_388] : memref<100000x128xf32, #tpu.memory_space<hbm>> -> memref<100000x128xf32, #tpu.memory_space<hbm>>
      %dma_wait3A_390 = tpu.memref_slice %arg8[%dma_wait3A_379] : memref<5x!tpu.dma_semaphore, #tpu.memory_space<semaphore_mem>> -> memref<1x!tpu.dma_semaphore, #tpu.memory_space<semaphore_mem>>
      %dma_wait3A_391 = tpu.memref_squeeze %dma_wait3A_390 : memref<1x!tpu.dma_semaphore, #tpu.memory_space<semaphore_mem>> -> memref<!tpu.dma_semaphore, #tpu.memory_space<semaphore_mem>>
      tpu.wait_indirect_dma semaphore(%dma_wait3A_391 : memref<!tpu.dma_semaphore, #tpu.memory_space<semaphore_mem>>) src(%dma_wait3A_389 : memref<100000x128xf32, #tpu.memory_space<hbm>>) dst(%dma_wait3A_383 : memref<64x128xf32, #tpu.memory_space<vmem>>)
      %mul3A_392 = arith.constant 4 : i32
      %mul3A_393 = arith.muli %mul3A_392, %scan3A_198 : i32
      %add3A_394 = arith.constant 3 : i32
      %add3A_395 = arith.addi %mul3A_393, %add3A_394 : i32
      %rem3A_396 = arith.constant 8 : i32
      %rem3A_397 = arith.remsi %add3A_395, %rem3A_396 : i32
      %ge3A_398 = arith.constant 8 : i32
      %ge3A_399 = arith.cmpi sge, %add3A_395, %ge3A_398 : i32
      %convert_element_type3A_400 = arith.extui %ge3A_399 : i1 to i32
      %cond3A_401 = arith.constant 0 : i32
      %cond3A_402 = arith.cmpi ne, %convert_element_type3A_400, %cond3A_401 : i32
      scf.if %cond3A_402 {
        %mul3A_423 = arith.constant 64 : i32
        %mul3A_424 = arith.muli %add3A_377, %mul3A_423 : i32
        %add3A_425 = arith.addi %mul3A_4, %mul3A_424 : i32
        %dma_wait3A_426 = tpu.memref_slice %arg10[%rem3A_397] : memref<8x!tpu.dma_semaphore, #tpu.memory_space<semaphore_mem>> -> memref<1x!tpu.dma_semaphore, #tpu.memory_space<semaphore_mem>>
        %dma_wait3A_427 = tpu.memref_squeeze %dma_wait3A_426 : memref<1x!tpu.dma_semaphore, #tpu.memory_space<semaphore_mem>> -> memref<!tpu.dma_semaphore, #tpu.memory_space<semaphore_mem>>
        %dma_wait3A_428 = arith.constant 0 : i32
        %dma_wait3A_429 = tpu.memref_slice %arg4[%add3A_425, %dma_wait3A_428] : memref<204800x128xf32, #tpu.memory_space<hbm>> -> memref<64x128xf32, #tpu.memory_space<hbm>>
        %dma_wait3A_430 = arith.constant 0 : i32
        %dma_wait3A_431 = arith.constant 0 : i32
        %dma_wait3A_432 = tpu.memref_slice %arg7[%arg1, %rem3A_397, %dma_wait3A_430, %dma_wait3A_431] : memref<16x8x64x128xf32, #tpu.memory_space<vmem_shared>> -> memref<1x1x64x128xf32, #tpu.memory_space<vmem_shared>>
        %dma_wait3A_433 = tpu.memref_squeeze %dma_wait3A_432 : memref<1x1x64x128xf32, #tpu.memory_space<vmem_shared>> -> memref<64x128xf32, #tpu.memory_space<vmem_shared>>
        tpu.wait_dma2 semaphore(%dma_wait3A_427 : memref<!tpu.dma_semaphore, #tpu.memory_space<semaphore_mem>>) src(%dma_wait3A_433 : memref<64x128xf32, #tpu.memory_space<vmem_shared>>) dst(%dma_wait3A_429 : memref<64x128xf32, #tpu.memory_space<hbm>>)
      } else {
      }
      %run_scoped3A_403 = arith.constant 4 : i32
      "tpu.region"() ({
        %run_scoped3A_423 = tpu.sem_alloc : memref<!tpu.dma_semaphore, #tpu.memory_space<semaphore_mem>>
        %dma_start3A_424 = arith.constant 0 : i32
        %dma_start3A_425 = arith.constant 0 : i32
        %dma_start3A_426 = tpu.memref_slice %arg6[%run_scoped3A_403, %dma_start3A_424, %dma_start3A_425] : memref<5x64x128xf32, #tpu.memory_space<vmem>> -> memref<1x64x128xf32, #tpu.memory_space<vmem>>
        %dma_start3A_427 = tpu.memref_squeeze %dma_start3A_426 : memref<1x64x128xf32, #tpu.memory_space<vmem>> -> memref<64x128xf32, #tpu.memory_space<vmem>>
        %dma_start3A_428 = arith.constant 0 : i32
        %dma_start3A_429 = arith.constant 0 : i32
        %dma_start3A_430 = tpu.memref_slice %arg7[%arg1, %rem3A_397, %dma_start3A_428, %dma_start3A_429] : memref<16x8x64x128xf32, #tpu.memory_space<vmem_shared>> -> memref<1x1x64x128xf32, #tpu.memory_space<vmem_shared>>
        %dma_start3A_431 = tpu.memref_squeeze %dma_start3A_430 : memref<1x1x64x128xf32, #tpu.memory_space<vmem_shared>> -> memref<64x128xf32, #tpu.memory_space<vmem_shared>>
        %dma_start3A_432 = arith.constant 0 : i32
        %dma_start3A_433 = arith.constant 0 : i32
        %dma_start3A_434 = tpu.memref_slice %arg7[%arg1, %rem3A_397, %dma_start3A_432, %dma_start3A_433] : memref<16x8x64x128xf32, #tpu.memory_space<vmem_shared>> -> memref<1x1x64x128xf32, #tpu.memory_space<vmem_shared>>
        %dma_start3A_435 = tpu.memref_squeeze %dma_start3A_434 : memref<1x1x64x128xf32, #tpu.memory_space<vmem_shared>> -> memref<64x128xf32, #tpu.memory_space<vmem_shared>>
        %dma_start3A_436 = arith.constant 0 : i32
        %dma_start3A_437 = arith.constant 0 : i32
        %dma_start3A_438 = tpu.memref_slice %arg6[%run_scoped3A_403, %dma_start3A_436, %dma_start3A_437] : memref<5x64x128xf32, #tpu.memory_space<vmem>> -> memref<1x64x128xf32, #tpu.memory_space<vmem>>
        %dma_start3A_439 = tpu.memref_squeeze %dma_start3A_438 : memref<1x64x128xf32, #tpu.memory_space<vmem>> -> memref<64x128xf32, #tpu.memory_space<vmem>>
        tpu.enqueue_dma source(%dma_start3A_439 : memref<64x128xf32, #tpu.memory_space<vmem>>) target(%dma_start3A_435 : memref<64x128xf32, #tpu.memory_space<vmem_shared>>) target_semaphore(%run_scoped3A_423 : memref<!tpu.dma_semaphore, #tpu.memory_space<semaphore_mem>>)
        %dma_wait3A_440 = arith.constant 0 : i32
        %dma_wait3A_441 = arith.constant 0 : i32
        %dma_wait3A_442 = tpu.memref_slice %arg6[%run_scoped3A_403, %dma_wait3A_440, %dma_wait3A_441] : memref<5x64x128xf32, #tpu.memory_space<vmem>> -> memref<1x64x128xf32, #tpu.memory_space<vmem>>
        %dma_wait3A_443 = tpu.memref_squeeze %dma_wait3A_442 : memref<1x64x128xf32, #tpu.memory_space<vmem>> -> memref<64x128xf32, #tpu.memory_space<vmem>>
        %dma_wait3A_444 = arith.constant 0 : i32
        %dma_wait3A_445 = arith.constant 0 : i32
        %dma_wait3A_446 = tpu.memref_slice %arg7[%arg1, %rem3A_397, %dma_wait3A_444, %dma_wait3A_445] : memref<16x8x64x128xf32, #tpu.memory_space<vmem_shared>> -> memref<1x1x64x128xf32, #tpu.memory_space<vmem_shared>>
        %dma_wait3A_447 = tpu.memref_squeeze %dma_wait3A_446 : memref<1x1x64x128xf32, #tpu.memory_space<vmem_shared>> -> memref<64x128xf32, #tpu.memory_space<vmem_shared>>
        %dma_wait3A_448 = arith.constant 0 : i32
        %dma_wait3A_449 = arith.constant 0 : i32
        %dma_wait3A_450 = tpu.memref_slice %arg7[%arg1, %rem3A_397, %dma_wait3A_448, %dma_wait3A_449] : memref<16x8x64x128xf32, #tpu.memory_space<vmem_shared>> -> memref<1x1x64x128xf32, #tpu.memory_space<vmem_shared>>
        %dma_wait3A_451 = tpu.memref_squeeze %dma_wait3A_450 : memref<1x1x64x128xf32, #tpu.memory_space<vmem_shared>> -> memref<64x128xf32, #tpu.memory_space<vmem_shared>>
        %dma_wait3A_452 = arith.constant 0 : i32
        %dma_wait3A_453 = arith.constant 0 : i32
        %dma_wait3A_454 = tpu.memref_slice %arg6[%run_scoped3A_403, %dma_wait3A_452, %dma_wait3A_453] : memref<5x64x128xf32, #tpu.memory_space<vmem>> -> memref<1x64x128xf32, #tpu.memory_space<vmem>>
        %dma_wait3A_455 = tpu.memref_squeeze %dma_wait3A_454 : memref<1x64x128xf32, #tpu.memory_space<vmem>> -> memref<64x128xf32, #tpu.memory_space<vmem>>
        tpu.wait_dma2 semaphore(%run_scoped3A_423 : memref<!tpu.dma_semaphore, #tpu.memory_space<semaphore_mem>>) src(%dma_wait3A_455 : memref<64x128xf32, #tpu.memory_space<vmem>>) dst(%dma_wait3A_451 : memref<64x128xf32, #tpu.memory_space<vmem_shared>>)
        tpu.yield
      }) : () -> ()
      %mul3A_404 = arith.constant 64 : i32
      %mul3A_405 = arith.muli %add3A_377, %mul3A_404 : i32
      %add3A_406 = arith.addi %mul3A_4, %mul3A_405 : i32
      %dma_start3A_407 = tpu.memref_slice %arg10[%rem3A_397] : memref<8x!tpu.dma_semaphore, #tpu.memory_space<semaphore_mem>> -> memref<1x!tpu.dma_semaphore, #tpu.memory_space<semaphore_mem>>
      %dma_start3A_408 = tpu.memref_squeeze %dma_start3A_407 : memref<1x!tpu.dma_semaphore, #tpu.memory_space<semaphore_mem>> -> memref<!tpu.dma_semaphore, #tpu.memory_space<semaphore_mem>>
      %dma_start3A_409 = arith.constant 0 : i32
      %dma_start3A_410 = tpu.memref_slice %arg4[%add3A_406, %dma_start3A_409] : memref<204800x128xf32, #tpu.memory_space<hbm>> -> memref<64x128xf32, #tpu.memory_space<hbm>>
      %dma_start3A_411 = arith.constant 0 : i32
      %dma_start3A_412 = arith.constant 0 : i32
      %dma_start3A_413 = tpu.memref_slice %arg7[%arg1, %rem3A_397, %dma_start3A_411, %dma_start3A_412] : memref<16x8x64x128xf32, #tpu.memory_space<vmem_shared>> -> memref<1x1x64x128xf32, #tpu.memory_space<vmem_shared>>
      %dma_start3A_414 = tpu.memref_squeeze %dma_start3A_413 : memref<1x1x64x128xf32, #tpu.memory_space<vmem_shared>> -> memref<64x128xf32, #tpu.memory_space<vmem_shared>>
      tpu.enqueue_dma source(%dma_start3A_414 : memref<64x128xf32, #tpu.memory_space<vmem_shared>>) target(%dma_start3A_410 : memref<64x128xf32, #tpu.memory_space<hbm>>) target_semaphore(%dma_start3A_408 : memref<!tpu.dma_semaphore, #tpu.memory_space<semaphore_mem>>)
      %add3A_415 = arith.constant 1 : i32
      %add3A_416 = arith.addi %scan3A_198, %add3A_415 : i32
      %lt3A_417 = arith.constant 20 : i32
      %lt3A_418 = arith.cmpi slt, %add3A_416, %lt3A_417 : i32
      %convert_element_type3A_419 = arith.extui %lt3A_418 : i1 to i32
      %cond3A_420 = arith.constant 0 : i32
      %cond3A_421 = arith.cmpi ne, %convert_element_type3A_419, %cond3A_420 : i32
      scf.if %cond3A_421 {
        %add3A_423 = arith.constant 5 : i32
        %add3A_424 = arith.addi %add3A_377, %add3A_423 : i32
        %dma_start3A_425 = arith.constant 4 : i32
        %dma_start3A_426 = arith.constant 4 : i32
        %dma_start3A_427 = arith.constant 0 : i32
        %dma_start3A_428 = arith.constant 0 : i32
        %dma_start3A_429 = tpu.memref_slice %arg6[%dma_start3A_425, %dma_start3A_427, %dma_start3A_428] : memref<5x64x128xf32, #tpu.memory_space<vmem>> -> memref<1x64x128xf32, #tpu.memory_space<vmem>>
        %dma_start3A_430 = tpu.memref_squeeze %dma_start3A_429 : memref<1x64x128xf32, #tpu.memory_space<vmem>> -> memref<64x128xf32, #tpu.memory_space<vmem>>
        %dma_start3A_431 = arith.constant 0 : i32
        %dma_start3A_432 = tpu.memref_slice %arg5[%add3A_424, %dma_start3A_431] : memref<100x64xi32, #tpu.memory_space<vmem>> -> memref<1x64xi32, #tpu.memory_space<vmem>>
        %dma_start3A_433 = tpu.memref_squeeze %dma_start3A_432 : memref<1x64xi32, #tpu.memory_space<vmem>> -> memref<64xi32, #tpu.memory_space<vmem>>
        %dma_start3A_434 = arith.constant 0 : i32
        %dma_start3A_435 = arith.constant 0 : i32
        %dma_start3A_436 = tpu.memref_slice %arg2[%dma_start3A_434, %dma_start3A_435] : memref<100000x128xf32, #tpu.memory_space<hbm>> -> memref<100000x128xf32, #tpu.memory_space<hbm>>
        %dma_start3A_437 = tpu.memref_slice %arg8[%dma_start3A_426] : memref<5x!tpu.dma_semaphore, #tpu.memory_space<semaphore_mem>> -> memref<1x!tpu.dma_semaphore, #tpu.memory_space<semaphore_mem>>
        %dma_start3A_438 = tpu.memref_squeeze %dma_start3A_437 : memref<1x!tpu.dma_semaphore, #tpu.memory_space<semaphore_mem>> -> memref<!tpu.dma_semaphore, #tpu.memory_space<semaphore_mem>>
        tpu.enqueue_indirect_dma source(%dma_start3A_436 : memref<100000x128xf32, #tpu.memory_space<hbm>>) target(%dma_start3A_430 : memref<64x128xf32, #tpu.memory_space<vmem>>) offsets(%dma_start3A_433 : memref<64xi32, #tpu.memory_space<vmem>>) semaphore(%dma_start3A_438 : memref<!tpu.dma_semaphore, #tpu.memory_space<semaphore_mem>>)
      } else {
      }
      %scan3A_422 = arith.constant 0 : i32
      scf.yield %scan3A_422 : i32
    }
    %scan3A_84 = arith.constant 20 : i32
    %add3A_85 = arith.constant 6080 : i32
    %add3A_86 = arith.addi %mul3A_4, %add3A_85 : i32
    %dma_wait3A = arith.constant 0 : i32
    %dma_wait3A_87 = arith.constant 0 : i32
    %dma_wait3A_88 = arith.constant 0 : i32
    %dma_wait3A_89 = arith.constant 0 : i32
    %dma_wait3A_90 = tpu.memref_slice %arg6[%dma_wait3A, %dma_wait3A_88, %dma_wait3A_89] : memref<5x64x128xf32, #tpu.memory_space<vmem>> -> memref<1x64x128xf32, #tpu.memory_space<vmem>>
    %dma_wait3A_91 = tpu.memref_squeeze %dma_wait3A_90 : memref<1x64x128xf32, #tpu.memory_space<vmem>> -> memref<64x128xf32, #tpu.memory_space<vmem>>
    %dma_wait3A_92 = arith.constant 0 : i32
    %dma_wait3A_93 = tpu.memref_slice %arg4[%add3A_86, %dma_wait3A_92] : memref<204800x128xf32, #tpu.memory_space<hbm>> -> memref<64x128xf32, #tpu.memory_space<hbm>>
    %dma_wait3A_94 = tpu.memref_slice %arg9[%dma_wait3A_87] : memref<5x!tpu.dma_semaphore, #tpu.memory_space<semaphore_mem>> -> memref<1x!tpu.dma_semaphore, #tpu.memory_space<semaphore_mem>>
    %dma_wait3A_95 = tpu.memref_squeeze %dma_wait3A_94 : memref<1x!tpu.dma_semaphore, #tpu.memory_space<semaphore_mem>> -> memref<!tpu.dma_semaphore, #tpu.memory_space<semaphore_mem>>
    %dma_wait3A_96 = arith.constant 0 : i32
    %dma_wait3A_97 = tpu.memref_slice %arg4[%add3A_86, %dma_wait3A_96] : memref<204800x128xf32, #tpu.memory_space<hbm>> -> memref<64x128xf32, #tpu.memory_space<hbm>>
    %dma_wait3A_98 = arith.constant 0 : i32
    %dma_wait3A_99 = arith.constant 0 : i32
    %dma_wait3A_100 = tpu.memref_slice %arg6[%dma_wait3A, %dma_wait3A_98, %dma_wait3A_99] : memref<5x64x128xf32, #tpu.memory_space<vmem>> -> memref<1x64x128xf32, #tpu.memory_space<vmem>>
    %dma_wait3A_101 = tpu.memref_squeeze %dma_wait3A_100 : memref<1x64x128xf32, #tpu.memory_space<vmem>> -> memref<64x128xf32, #tpu.memory_space<vmem>>
    tpu.wait_dma2 semaphore(%dma_wait3A_95 : memref<!tpu.dma_semaphore, #tpu.memory_space<semaphore_mem>>) src(%dma_wait3A_101 : memref<64x128xf32, #tpu.memory_space<vmem>>) dst(%dma_wait3A_97 : memref<64x128xf32, #tpu.memory_space<hbm>>)
    %add3A_102 = arith.constant 5824 : i32
    %add3A_103 = arith.addi %mul3A_4, %add3A_102 : i32
    %dma_wait3A_104 = arith.constant 0 : i32
    %dma_wait3A_105 = arith.constant 0 : i32
    %dma_wait3A_106 = tpu.memref_slice %arg10[%dma_wait3A_105] : memref<8x!tpu.dma_semaphore, #tpu.memory_space<semaphore_mem>> -> memref<1x!tpu.dma_semaphore, #tpu.memory_space<semaphore_mem>>
    %dma_wait3A_107 = tpu.memref_squeeze %dma_wait3A_106 : memref<1x!tpu.dma_semaphore, #tpu.memory_space<semaphore_mem>> -> memref<!tpu.dma_semaphore, #tpu.memory_space<semaphore_mem>>
    %dma_wait3A_108 = arith.constant 0 : i32
    %dma_wait3A_109 = tpu.memref_slice %arg4[%add3A_103, %dma_wait3A_108] : memref<204800x128xf32, #tpu.memory_space<hbm>> -> memref<64x128xf32, #tpu.memory_space<hbm>>
    %dma_wait3A_110 = arith.constant 0 : i32
    %dma_wait3A_111 = arith.constant 0 : i32
    %dma_wait3A_112 = tpu.memref_slice %arg7[%arg1, %dma_wait3A_104, %dma_wait3A_110, %dma_wait3A_111] : memref<16x8x64x128xf32, #tpu.memory_space<vmem_shared>> -> memref<1x1x64x128xf32, #tpu.memory_space<vmem_shared>>
    %dma_wait3A_113 = tpu.memref_squeeze %dma_wait3A_112 : memref<1x1x64x128xf32, #tpu.memory_space<vmem_shared>> -> memref<64x128xf32, #tpu.memory_space<vmem_shared>>
    tpu.wait_dma2 semaphore(%dma_wait3A_107 : memref<!tpu.dma_semaphore, #tpu.memory_space<semaphore_mem>>) src(%dma_wait3A_113 : memref<64x128xf32, #tpu.memory_space<vmem_shared>>) dst(%dma_wait3A_109 : memref<64x128xf32, #tpu.memory_space<hbm>>)
    %add3A_114 = arith.constant 5888 : i32
    %add3A_115 = arith.addi %mul3A_4, %add3A_114 : i32
    %dma_wait3A_116 = arith.constant 1 : i32
    %dma_wait3A_117 = arith.constant 1 : i32
    %dma_wait3A_118 = tpu.memref_slice %arg10[%dma_wait3A_117] : memref<8x!tpu.dma_semaphore, #tpu.memory_space<semaphore_mem>> -> memref<1x!tpu.dma_semaphore, #tpu.memory_space<semaphore_mem>>
    %dma_wait3A_119 = tpu.memref_squeeze %dma_wait3A_118 : memref<1x!tpu.dma_semaphore, #tpu.memory_space<semaphore_mem>> -> memref<!tpu.dma_semaphore, #tpu.memory_space<semaphore_mem>>
    %dma_wait3A_120 = arith.constant 0 : i32
    %dma_wait3A_121 = tpu.memref_slice %arg4[%add3A_115, %dma_wait3A_120] : memref<204800x128xf32, #tpu.memory_space<hbm>> -> memref<64x128xf32, #tpu.memory_space<hbm>>
    %dma_wait3A_122 = arith.constant 0 : i32
    %dma_wait3A_123 = arith.constant 0 : i32
    %dma_wait3A_124 = tpu.memref_slice %arg7[%arg1, %dma_wait3A_116, %dma_wait3A_122, %dma_wait3A_123] : memref<16x8x64x128xf32, #tpu.memory_space<vmem_shared>> -> memref<1x1x64x128xf32, #tpu.memory_space<vmem_shared>>
    %dma_wait3A_125 = tpu.memref_squeeze %dma_wait3A_124 : memref<1x1x64x128xf32, #tpu.memory_space<vmem_shared>> -> memref<64x128xf32, #tpu.memory_space<vmem_shared>>
    tpu.wait_dma2 semaphore(%dma_wait3A_119 : memref<!tpu.dma_semaphore, #tpu.memory_space<semaphore_mem>>) src(%dma_wait3A_125 : memref<64x128xf32, #tpu.memory_space<vmem_shared>>) dst(%dma_wait3A_121 : memref<64x128xf32, #tpu.memory_space<hbm>>)
    %add3A_126 = arith.constant 5952 : i32
    %add3A_127 = arith.addi %mul3A_4, %add3A_126 : i32
    %dma_wait3A_128 = arith.constant 2 : i32
    %dma_wait3A_129 = arith.constant 2 : i32
    %dma_wait3A_130 = tpu.memref_slice %arg10[%dma_wait3A_129] : memref<8x!tpu.dma_semaphore, #tpu.memory_space<semaphore_mem>> -> memref<1x!tpu.dma_semaphore, #tpu.memory_space<semaphore_mem>>
    %dma_wait3A_131 = tpu.memref_squeeze %dma_wait3A_130 : memref<1x!tpu.dma_semaphore, #tpu.memory_space<semaphore_mem>> -> memref<!tpu.dma_semaphore, #tpu.memory_space<semaphore_mem>>
    %dma_wait3A_132 = arith.constant 0 : i32
    %dma_wait3A_133 = tpu.memref_slice %arg4[%add3A_127, %dma_wait3A_132] : memref<204800x128xf32, #tpu.memory_space<hbm>> -> memref<64x128xf32, #tpu.memory_space<hbm>>
    %dma_wait3A_134 = arith.constant 0 : i32
    %dma_wait3A_135 = arith.constant 0 : i32
    %dma_wait3A_136 = tpu.memref_slice %arg7[%arg1, %dma_wait3A_128, %dma_wait3A_134, %dma_wait3A_135] : memref<16x8x64x128xf32, #tpu.memory_space<vmem_shared>> -> memref<1x1x64x128xf32, #tpu.memory_space<vmem_shared>>
    %dma_wait3A_137 = tpu.memref_squeeze %dma_wait3A_136 : memref<1x1x64x128xf32, #tpu.memory_space<vmem_shared>> -> memref<64x128xf32, #tpu.memory_space<vmem_shared>>
    tpu.wait_dma2 semaphore(%dma_wait3A_131 : memref<!tpu.dma_semaphore, #tpu.memory_space<semaphore_mem>>) src(%dma_wait3A_137 : memref<64x128xf32, #tpu.memory_space<vmem_shared>>) dst(%dma_wait3A_133 : memref<64x128xf32, #tpu.memory_space<hbm>>)
    %add3A_138 = arith.constant 6016 : i32
    %add3A_139 = arith.addi %mul3A_4, %add3A_138 : i32
    %dma_wait3A_140 = arith.constant 3 : i32
    %dma_wait3A_141 = arith.constant 3 : i32
    %dma_wait3A_142 = tpu.memref_slice %arg10[%dma_wait3A_141] : memref<8x!tpu.dma_semaphore, #tpu.memory_space<semaphore_mem>> -> memref<1x!tpu.dma_semaphore, #tpu.memory_space<semaphore_mem>>
    %dma_wait3A_143 = tpu.memref_squeeze %dma_wait3A_142 : memref<1x!tpu.dma_semaphore, #tpu.memory_space<semaphore_mem>> -> memref<!tpu.dma_semaphore, #tpu.memory_space<semaphore_mem>>
    %dma_wait3A_144 = arith.constant 0 : i32
    %dma_wait3A_145 = tpu.memref_slice %arg4[%add3A_139, %dma_wait3A_144] : memref<204800x128xf32, #tpu.memory_space<hbm>> -> memref<64x128xf32, #tpu.memory_space<hbm>>
    %dma_wait3A_146 = arith.constant 0 : i32
    %dma_wait3A_147 = arith.constant 0 : i32
    %dma_wait3A_148 = tpu.memref_slice %arg7[%arg1, %dma_wait3A_140, %dma_wait3A_146, %dma_wait3A_147] : memref<16x8x64x128xf32, #tpu.memory_space<vmem_shared>> -> memref<1x1x64x128xf32, #tpu.memory_space<vmem_shared>>
    %dma_wait3A_149 = tpu.memref_squeeze %dma_wait3A_148 : memref<1x1x64x128xf32, #tpu.memory_space<vmem_shared>> -> memref<64x128xf32, #tpu.memory_space<vmem_shared>>
    tpu.wait_dma2 semaphore(%dma_wait3A_143 : memref<!tpu.dma_semaphore, #tpu.memory_space<semaphore_mem>>) src(%dma_wait3A_149 : memref<64x128xf32, #tpu.memory_space<vmem_shared>>) dst(%dma_wait3A_145 : memref<64x128xf32, #tpu.memory_space<hbm>>)
    %add3A_150 = arith.constant 6144 : i32
    %add3A_151 = arith.addi %mul3A_4, %add3A_150 : i32
    %dma_wait3A_152 = arith.constant 4 : i32
    %dma_wait3A_153 = arith.constant 4 : i32
    %dma_wait3A_154 = tpu.memref_slice %arg10[%dma_wait3A_153] : memref<8x!tpu.dma_semaphore, #tpu.memory_space<semaphore_mem>> -> memref<1x!tpu.dma_semaphore, #tpu.memory_space<semaphore_mem>>
    %dma_wait3A_155 = tpu.memref_squeeze %dma_wait3A_154 : memref<1x!tpu.dma_semaphore, #tpu.memory_space<semaphore_mem>> -> memref<!tpu.dma_semaphore, #tpu.memory_space<semaphore_mem>>
    %dma_wait3A_156 = arith.constant 0 : i32
    %dma_wait3A_157 = tpu.memref_slice %arg4[%add3A_151, %dma_wait3A_156] : memref<204800x128xf32, #tpu.memory_space<hbm>> -> memref<64x128xf32, #tpu.memory_space<hbm>>
    %dma_wait3A_158 = arith.constant 0 : i32
    %dma_wait3A_159 = arith.constant 0 : i32
    %dma_wait3A_160 = tpu.memref_slice %arg7[%arg1, %dma_wait3A_152, %dma_wait3A_158, %dma_wait3A_159] : memref<16x8x64x128xf32, #tpu.memory_space<vmem_shared>> -> memref<1x1x64x128xf32, #tpu.memory_space<vmem_shared>>
    %dma_wait3A_161 = tpu.memref_squeeze %dma_wait3A_160 : memref<1x1x64x128xf32, #tpu.memory_space<vmem_shared>> -> memref<64x128xf32, #tpu.memory_space<vmem_shared>>
    tpu.wait_dma2 semaphore(%dma_wait3A_155 : memref<!tpu.dma_semaphore, #tpu.memory_space<semaphore_mem>>) src(%dma_wait3A_161 : memref<64x128xf32, #tpu.memory_space<vmem_shared>>) dst(%dma_wait3A_157 : memref<64x128xf32, #tpu.memory_space<hbm>>)
    %add3A_162 = arith.constant 6208 : i32
    %add3A_163 = arith.addi %mul3A_4, %add3A_162 : i32
    %dma_wait3A_164 = arith.constant 5 : i32
    %dma_wait3A_165 = arith.constant 5 : i32
    %dma_wait3A_166 = tpu.memref_slice %arg10[%dma_wait3A_165] : memref<8x!tpu.dma_semaphore, #tpu.memory_space<semaphore_mem>> -> memref<1x!tpu.dma_semaphore, #tpu.memory_space<semaphore_mem>>
    %dma_wait3A_167 = tpu.memref_squeeze %dma_wait3A_166 : memref<1x!tpu.dma_semaphore, #tpu.memory_space<semaphore_mem>> -> memref<!tpu.dma_semaphore, #tpu.memory_space<semaphore_mem>>
    %dma_wait3A_168 = arith.constant 0 : i32
    %dma_wait3A_169 = tpu.memref_slice %arg4[%add3A_163, %dma_wait3A_168] : memref<204800x128xf32, #tpu.memory_space<hbm>> -> memref<64x128xf32, #tpu.memory_space<hbm>>
    %dma_wait3A_170 = arith.constant 0 : i32
    %dma_wait3A_171 = arith.constant 0 : i32
    %dma_wait3A_172 = tpu.memref_slice %arg7[%arg1, %dma_wait3A_164, %dma_wait3A_170, %dma_wait3A_171] : memref<16x8x64x128xf32, #tpu.memory_space<vmem_shared>> -> memref<1x1x64x128xf32, #tpu.memory_space<vmem_shared>>
    %dma_wait3A_173 = tpu.memref_squeeze %dma_wait3A_172 : memref<1x1x64x128xf32, #tpu.memory_space<vmem_shared>> -> memref<64x128xf32, #tpu.memory_space<vmem_shared>>
    tpu.wait_dma2 semaphore(%dma_wait3A_167 : memref<!tpu.dma_semaphore, #tpu.memory_space<semaphore_mem>>) src(%dma_wait3A_173 : memref<64x128xf32, #tpu.memory_space<vmem_shared>>) dst(%dma_wait3A_169 : memref<64x128xf32, #tpu.memory_space<hbm>>)
    %add3A_174 = arith.constant 6272 : i32
    %add3A_175 = arith.addi %mul3A_4, %add3A_174 : i32
    %dma_wait3A_176 = arith.constant 6 : i32
    %dma_wait3A_177 = arith.constant 6 : i32
    %dma_wait3A_178 = tpu.memref_slice %arg10[%dma_wait3A_177] : memref<8x!tpu.dma_semaphore, #tpu.memory_space<semaphore_mem>> -> memref<1x!tpu.dma_semaphore, #tpu.memory_space<semaphore_mem>>
    %dma_wait3A_179 = tpu.memref_squeeze %dma_wait3A_178 : memref<1x!tpu.dma_semaphore, #tpu.memory_space<semaphore_mem>> -> memref<!tpu.dma_semaphore, #tpu.memory_space<semaphore_mem>>
    %dma_wait3A_180 = arith.constant 0 : i32
    %dma_wait3A_181 = tpu.memref_slice %arg4[%add3A_175, %dma_wait3A_180] : memref<204800x128xf32, #tpu.memory_space<hbm>> -> memref<64x128xf32, #tpu.memory_space<hbm>>
    %dma_wait3A_182 = arith.constant 0 : i32
    %dma_wait3A_183 = arith.constant 0 : i32
    %dma_wait3A_184 = tpu.memref_slice %arg7[%arg1, %dma_wait3A_176, %dma_wait3A_182, %dma_wait3A_183] : memref<16x8x64x128xf32, #tpu.memory_space<vmem_shared>> -> memref<1x1x64x128xf32, #tpu.memory_space<vmem_shared>>
    %dma_wait3A_185 = tpu.memref_squeeze %dma_wait3A_184 : memref<1x1x64x128xf32, #tpu.memory_space<vmem_shared>> -> memref<64x128xf32, #tpu.memory_space<vmem_shared>>
    tpu.wait_dma2 semaphore(%dma_wait3A_179 : memref<!tpu.dma_semaphore, #tpu.memory_space<semaphore_mem>>) src(%dma_wait3A_185 : memref<64x128xf32, #tpu.memory_space<vmem_shared>>) dst(%dma_wait3A_181 : memref<64x128xf32, #tpu.memory_space<hbm>>)
    %add3A_186 = arith.constant 6336 : i32
    %add3A_187 = arith.addi %mul3A_4, %add3A_186 : i32
    %dma_wait3A_188 = arith.constant 7 : i32
    %dma_wait3A_189 = arith.constant 7 : i32
    %dma_wait3A_190 = tpu.memref_slice %arg10[%dma_wait3A_189] : memref<8x!tpu.dma_semaphore, #tpu.memory_space<semaphore_mem>> -> memref<1x!tpu.dma_semaphore, #tpu.memory_space<semaphore_mem>>
    %dma_wait3A_191 = tpu.memref_squeeze %dma_wait3A_190 : memref<1x!tpu.dma_semaphore, #tpu.memory_space<semaphore_mem>> -> memref<!tpu.dma_semaphore, #tpu.memory_space<semaphore_mem>>
    %dma_wait3A_192 = arith.constant 0 : i32
    %dma_wait3A_193 = tpu.memref_slice %arg4[%add3A_187, %dma_wait3A_192] : memref<204800x128xf32, #tpu.memory_space<hbm>> -> memref<64x128xf32, #tpu.memory_space<hbm>>
    %dma_wait3A_194 = arith.constant 0 : i32
    %dma_wait3A_195 = arith.constant 0 : i32
    %dma_wait3A_196 = tpu.memref_slice %arg7[%arg1, %dma_wait3A_188, %dma_wait3A_194, %dma_wait3A_195] : memref<16x8x64x128xf32, #tpu.memory_space<vmem_shared>> -> memref<1x1x64x128xf32, #tpu.memory_space<vmem_shared>>
    %dma_wait3A_197 = tpu.memref_squeeze %dma_wait3A_196 : memref<1x1x64x128xf32, #tpu.memory_space<vmem_shared>> -> memref<64x128xf32, #tpu.memory_space<vmem_shared>>
    tpu.wait_dma2 semaphore(%dma_wait3A_191 : memref<!tpu.dma_semaphore, #tpu.memory_space<semaphore_mem>>) src(%dma_wait3A_197 : memref<64x128xf32, #tpu.memory_space<vmem_shared>>) dst(%dma_wait3A_193 : memref<64x128xf32, #tpu.memory_space<hbm>>)
    return
  }
}

</mosaic_0001>

<sc_bundles>
// kernel: kernel.3.cloned.1.call-start
scs
__scs_entry_jumppad:
0x0: {  	(pc) =	sbr.rel $0x88, $3  }
0x1: {  	(tag) =	ssettag $0x0;
	lr =	simm.s32 $0x1  }
0x2: {  	[smem:$0x3F9F] =	sst lr;
	_ =	strace $0xD0000000  }
0x3: {  	_ = 	snop  }
0x4: {  	_ = 	snop  }
0x5: {  	_ = 	snop  }
0x6: {  	_ = 	snop  }
0x7: {  	_ = 	snop  }
__scs_overlays_trampoline_lowered:
0x8: {  	[smem:$0x3FAE] =	sst s0  }
0x9: {  	[smem:$0x3FAF] =	sst s1  }
0xa: {  	[smem:$0x3FB0] =	sst s2  }
0xb: {  	[smem:$0x3FB1] =	sst s3  }
0xc: {  	[smem:$0x3FB2] =	sst s4  }
0xd: {  	[smem:$0x3FB3] =	sst s5  }
0xe: {  	[smem:$0x3FB4] =	sst s6  }
0xf: {  	[smem:$0x3FB5] =	sst s7  }
0x10: {  	[smem:$0x3FB6] =	sst s8  }
0x11: {  	[smem:$0x3FB7] =	sst s9;
	s0 =	simm.s32 @!p0 $0x0  }
0x12: {  	s1 =	sld [smem:$0x3F9D];
	s0 =	simm.s32 @p0 $0x1  }
0x13: {  	[smem:$0x3FB8] =	sst s0;
	s0 =	simm.s32 @!p1 $0x0  }
0x14: {  	s2 =	sld [smem:$0x3F9C];
	s0 =	simm.s32 @p1 $0x1  }
0x15: {  	[smem:$0x3FB9] =	sst s0;
	s0 =	simm.s32 @!p2 $0x0  }
0x16: {  	s3 =	sld [smem:$0x3FDB];
	s0 =	simm.s32 @p2 $0x1  }
0x17: {  	s4 =	simm.s32 $0x1BF5;
	[smem:$0x3FBB] =	sst s0  }
0x18: {  	s0 =	sld [smem:$0x3F9E];
	_ =	swait.ge [sflag:s4], $0x0  }
0x19: {  	s7 =	sld [smem:$0x3F9F]  }
0x1a: {  	s8 =	sadd.s32 $0xFFFFE003, lr  }
0x1b: {  	s9 =	sadd.s32 $0xFFFFFEF7, lr;
	s5 =	simm.s32 $0xFFFFFFFF;
	p2 =	slt.u32 s8, $0xFFFFF086  }
0x1c: {  	p1 =	slt.u32 s9, $0xF7A;
	s5 =	simm.s32 @!p2 $0x0  }
0x1d: {  	s5 =	simm.s32 @p1 $0x1;
	p0 =	seq.s32 s7, s2  }
0x1e: {  	s7 =	smul.u32 @!p0 $0xF7A, s2;
	p2 =	seq.s32 @!p0 s5, $0x0  }
0x1f: {  	s9 =	smul.u32 $0xF7A, s1;
	s8 =	simm.s32 @!p0 $0x1BF5;
	p2 =	por !p2, p0  }
0x20: {  	[sflag:s8] =	ssyncset.s32 @!p0 $0xFFFFF086;
	s6 =	sadd.s32 @!p0 s3, s7;
	s7 =	simm.s32 @!p0 $0x108  }
0x21: {  	s3 =	sadd.s32 s3, s9;
	s6 =	sadd.s32 @!p0 $0x88, s6;
	s7 =	simm.s32 @p2 $0x1082  }
0x22: {  	[simem:s7], [sflag:s8] =	dma.local @!p0 [hbm:s6], $0xF7A  }
0x23: {  	s9 =	sor.u32 $0xD0000000, s2;
	s6 =	simm.s32 $0x108;
	_ =	swait.ge @!p0 [sflag:s8], $0x0  }
0x24: {  	s3 =	sadd.s32 $0x88, s3;
	s6 =	simm.s32 @!p1 $0x1082;
	[sflag:s4] =	ssyncset.s32 $0xFFFFF086  }
0x25: {  	[simem:s6], [sflag:s4] =	dma.local [hbm:s3], $0xF7A  }
0x26: {  	[smem:$0x3F9F] =	sst s1;
	(tag) =	ssettag s2;
	_ =	strace s9  }
0x27: {  	s1 =	sld [smem:$0x3FAF]  }
0x28: {  	s2 =	sld [smem:$0x3FB0]  }
0x29: {  	s4 =	sld [smem:$0x3FB2]  }
0x2a: {  	p0 =	seq.s32 s5, $0x0;
	s5 =	sld [smem:$0x3FB3]  }
0x2b: {  	s6 =	sld [smem:$0x3FB4]  }
0x2c: {  	s7 =	sld [smem:$0x3FB5]  }
0x2d: {  	s3 =	simm.s32 $0x108;
	s8 =	sld [smem:$0x3FB6]  }
0x2e: {  	s3 =	simm.s32 @!p0 $0x1082;
	s9 =	sld [smem:$0x3FB7]  }
0x2f: {  	lr =	sadd.s32 s0, s3;
	s0 =	sld [smem:$0x3FAE]  }
0x30: {  	s3 =	sld [smem:$0x3FB1]  }
0x31: {  	[smem:$0x3FBA] =	sst s10  }
0x32: {  	s10 =	sld [smem:$0x3FB8];
	_ =	sdelay $0x3  }
0x33: {  	p0 =	seq.s32 s10, $0x1;
	s10 =	sld [smem:$0x3FBA];
	_ =	sdelay $0x3  }
0x34: {  	[smem:$0x3FBA] =	sst s10  }
0x35: {  	s10 =	sld [smem:$0x3FB9];
	_ =	sdelay $0x3  }
0x36: {  	p1 =	seq.s32 s10, $0x1;
	s10 =	sld [smem:$0x3FBA];
	_ =	sdelay $0x3  }
0x37: {  	[smem:$0x3FBA] =	sst s10  }
0x38: {  	s10 =	sld [smem:$0x3FBB]  }
0x39: {  	_ = 	snop;
	(pc) =	sbr.ind lr, $3  }
0x3a: {  	_ = 	snop  }
0x3b: {  	_ = 	snop  }
0x3c: {  	p2 =	seq.s32 s10, $0x1;
	s10 =	sld [smem:$0x3FBA]  }
0x3d: {  	_ =	shalt  }
0x3e: {  	_ =	shalt  }
0x3f: {  	_ =	shalt  }
0x40: {  	_ =	shalt  }
0x41: {  	_ =	shalt  }
0x42: {  	_ =	shalt  }
0x43: {  	_ =	shalt  }
0x44: {  	_ =	shalt  }
0x45: {  	_ =	shalt  }
0x46: {  	_ =	shalt  }
0x47: {  	_ =	shalt  }
0x48: {  	_ =	shalt  }
0x49: {  	_ =	shalt  }
0x4a: {  	_ =	shalt  }
0x4b: {  	_ =	shalt  }
0x4c: {  	_ =	shalt  }
0x4d: {  	_ =	shalt  }
0x4e: {  	_ =	shalt  }
0x4f: {  	_ =	shalt  }
0x50: {  	_ =	shalt  }
0x51: {  	_ =	shalt  }
0x52: {  	_ =	shalt  }
0x53: {  	_ =	shalt  }
0x54: {  	_ =	shalt  }
0x55: {  	_ =	shalt  }
0x56: {  	_ =	shalt  }
0x57: {  	_ =	shalt  }
0x58: {  	_ =	shalt  }
0x59: {  	_ =	shalt  }
0x5a: {  	_ =	shalt  }
0x5b: {  	_ =	shalt  }
0x5c: {  	_ =	shalt  }
0x5d: {  	_ =	shalt  }
0x5e: {  	_ =	shalt  }
0x5f: {  	_ =	shalt  }
0x60: {  	_ =	shalt  }
0x61: {  	_ =	shalt  }
0x62: {  	_ =	shalt  }
0x63: {  	_ =	shalt  }
0x64: {  	_ =	shalt  }
0x65: {  	_ =	shalt  }
0x66: {  	_ =	shalt  }
0x67: {  	_ =	shalt  }
0x68: {  	_ =	shalt  }
0x69: {  	_ =	shalt  }
0x6a: {  	_ =	shalt  }
0x6b: {  	_ =	shalt  }
0x6c: {  	_ =	shalt  }
0x6d: {  	_ =	shalt  }
0x6e: {  	_ =	shalt  }
0x6f: {  	_ =	shalt  }
0x70: {  	_ =	shalt  }
0x71: {  	_ =	shalt  }
0x72: {  	_ =	shalt  }
0x73: {  	_ =	shalt  }
0x74: {  	_ =	shalt  }
0x75: {  	_ =	shalt  }
0x76: {  	_ =	shalt  }
0x77: {  	_ =	shalt  }
0x78: {  	_ =	shalt  }
0x79: {  	_ =	shalt  }
0x7a: {  	_ =	shalt  }
0x7b: {  	_ =	shalt  }
0x7c: {  	_ =	shalt  }
0x7d: {  	_ =	shalt  }
0x7e: {  	_ =	shalt  }
0x7f: {  	_ =	shalt  }
0x80: {  	_ =	shalt  }
0x81: {  	_ =	shalt  }
0x82: {  	_ =	shalt  }
0x83: {  	_ =	shalt  }
0x84: {  	_ =	shalt  }
0x85: {  	_ =	shalt  }
0x86: {  	_ =	shalt  }
0x87: {  	_ =	shalt  }
.Lfunc_end0:
.L_simem_size_0:
called_computation.1_lowered:
.L_overlay_start_0:
0x88: {  	s2 =	sld [smem:$0x3FD9]  }
0x89: {  	s3 =	sld [smem:$0x3FFE];
	_ =	sdelay $0x1  }
0x8a: {  	s1 =	srdreg.scid  }
0x8b: {  	s0 =	sand.u32 $0x1, s1  }
0x8c: {  	s17 =	sshll.u32 s0, $0xA;
	s2 =	sadd.s32 s3, s2  }
0x8d: {  	s2 =	sadd.s32 s2, s17  }
0x8e: {  	[smem:$0x3FC6] =	sst s2  }
0x8f: {  	_ = 	snop  }
0x90: {  	s2 =	sld [smem:$0x3FC8]  }
0x91: {  	s18 =	sld [smem:$0x3FD0];
	(tm) =	ssettm $0x1  }
0x92: {  	s4 =	sld [smem:$0x3FFB];
	_ =	sdelay $0x3  }
0x93: {  	_ =	strace s4  }
0x94: {  	s4 =	sld [smem:$0x3FFC];
	_ =	sdelay $0x3  }
0x95: {  	_ =	strace s4  }
0x96: {  	s4 =	sld [smem:$0x3FFD];
	_ =	sdelay $0x3  }
0x97: {  	_ =	strace s4  }
0x98: {  	_ =	strace $0x8FFFFFFF  }
0x99: {  	s19 =	sld [smem:$0x3FDB];
	_ =	sdelay $0x1  }
0x9a: {  	s5 =	simm.s32 $_scs_section_size  }
0x9b: {  	s6 =	simm.s32 $_size__tile_overlayer_lowered;
	s7 =	simm.s32 $_tile_overlayer_lowered  }
0x9c: {  	s22 =	simm.s32 $0x1BFF;
	s21 =	sshll.u32 s7, $0x1;
	s4 =	sadd.s32 s5, s19  }
0x9d: {  	s8 =	simm.s32 $0x0;
	s20 =	sshll.u32 s6, $0x1;
	s6 =	sadd.s32 s21, s4  }
0x9e: {  	[timem:s8], [sflag:s22] =	dma.local [hbm:s6], s20  }
0x9f: {  	_ =	swait.ge [sflag:s22], s20  }
0xa0: {  	s5 =	ssub.s32 $0x0, s20;
	[sflag:s22] =	ssyncset.done $0x0  }
0xa1: {  	[sflag:s22] =	ssyncadd.s32 s5;
	_ =	sdelay $0x1  }
0xa2: {  	s23 =	simm.s32 $0x1B8B  }
0xa3: {  	_ =	swait.ge [sflag:s23], $0x1  }
0xa4: {  	[sflag:s23] =	ssyncset.done $0x0  }
0xa5: {  	s25 =	simm.s32 $0x1B8E;
	s24 =	sld [smem:$0x3FFE];
	[sflag:s23] =	ssyncadd.s32 $0xFFFFFFFF  }
0xa6: {  	s26 =	simm.s32 $execute0_lowered;
	[smem:$0x3FD2] =	sst s25  }
0xa7: {  	s6 =	sshll.u32 s26, $0x1;
	_ =	strace $0x80000046;
	[dreg:$0x1] =	wrdreg $0xFFFFFFFF  }
0xa8: {  	s28 =	simm.s32 $_size_execute0_lowered;
	s4 =	sadd.s32 s4, s6;
	[dreg:$0x0] =	wrdreg $0x0  }
0xa9: {  	s6 =	sshll.u32 s28, $0x1;
	[dreg:$0x2] =	wrdreg s4  }
0xaa: {  	[dreg:$0x3] =	wrdreg s6  }
0xab: {  	[dreg:$0x4] =	wrdreg $0xC0  }
0xac: {  	_ =	task [dreg:s8], $0x5FFFF  }
0xad: {  	[dreg:$0x1] =	wrdreg $0xFFFFFFFF  }
0xae: {  	[dreg:$0x0] =	wrdreg $0x60  }
0xaf: {  	[dreg:$0x2] =	wrdreg s2  }
0xb0: {  	[dreg:$0x3] =	wrdreg s24  }
0xb1: {  	[dreg:$0x4] =	wrdreg s18  }
0xb2: {  	[dreg:$0x5] =	wrdreg $0xD4000  }
0xb3: {  	[dreg:$0x6] =	wrdreg $0x9  }
0xb4: {  	_ =	task.clear_ibuf [dreg:s8], $0x7FFFF;
	_ =	strace $0x90000046  }
0xb5: {  	s29 =	simm.s32 $0x9;
	_ =	strace $0x80000048  }
0xb6: {  	_ =	swait.ge [sflag:s29], $0x1  }
0xb7: {  	[sflag:s29] =	ssyncadd.s32 $0xFFFFFFFF  }
0xb8: {  	_ =	strace $0x90000048  }
0xb9: {  	_ =	sfence  }
0xba: {  	s30 =	sld [smem:$0x0];
	_ =	sdelay $0x2  }
0xbb: {  	s31 =	sshll.u32 s1, $0xD;
	s1 =	sshrl.u32 s1, $0x2  }
0xbc: {  	s3 =	sand.u32 $0x4000, s31;
	s1 =	sadd.s32 s1, s30  }
0xbd: {  	s0 =	sor.u32 s3, s0;
	s1 =	sshll.u32 s1, $0x11  }
0xbe: {  	s0 =	sor.u32 s1, s0  }
0xbf: {  	s0 =	sadd.s32 $0x8F2B, s0  }
0xc0: {  	[sflag:s0] =	ssyncadd.remote.s32 $0x1  }
0xc1: {  	_ =	sfence.sel $0xFFFF  }
0xc2: {  	[dreg:$0x0] =	wrdreg $0xFFFFFFFF;
	(pc) =	sbr.abs _section_cstart, $3  }
0xc3: {  	[dreg:$0x1] =	wrdreg $0xFFFFFFFF  }
0xc4: {  	_ =	task.clear_ibuf [dreg:s8], $0x2FFFF;
	_ =	strace $0x9FFFFFFF  }
0xc5: {  	(tm) =	ssettm $0x7FFFFFFF  }
tec
execute0_lowered:
.L_overlay_start_1:
0x0: {  	(tag) =	ssettag $0x1  }
0x1: {  	s1 =	rddreg [dreg:$0x0]  }
0x2: {  	s0 =	rddreg [dreg:$0x1];
	s2 =	srdreg.scid  }
0x3: {  	s11 =	stileid.u32;
	s4 =	rddreg [dreg:$0x2]  }
0x4: {  	s5 =	rddreg [dreg:$0x3];
	s10 =	simm.s32 $0x3400;
	s12 =	simm.s32 $0x5400  }
0x5: {  	s14 =	simm.s32 $0x7400;
	s16 =	simm.s32 $0x9400;
	s18 =	simm.s32 $0xB400  }
0x6: {  	s19 =	simm.s32 $0x1;
	s20 =	simm.s32 $0x2;
	s22 =	simm.s32 $0x3  }
0x7: {  	s23 =	simm.s32 $0x4;
	s24 =	simm.s32 $0x5;
	s31 =	simm.s32 $0xF  }
0x8: {  	s13 =	simm.s32 $0x0;
	s2 =	sand.u32 $0x1, s2;
	s3 =	sshll.u32 s11, $0x1  }
0x9: {  	s8 =	smul.u32 $0x32000, s11;
	s28 =	sshll.u32 s11, $0x10;
	s21 =	sshll.u32 s11, $0x6  }
0xa: {  	s11 =	simm.s32 $0x12;
	s6 =	sor.u32 s2, s3;
	s3 =	simm.s32 $0x0  }
0xb: {  	s7 =	ssub.s32 $0x2, s2;
	s2 =	smul.u32 $0x19000, s2;
	s5 =	sadd.s32 s28, s5  }
0xc: {  	s6 =	smul.u32 $0x680, s6;
	[smem:$0x7FF] =	sst s3;
	s9 =	sshrl.u32 s7, $0x1  }
0xd: {  	s4 =	sadd.s32 s8, s4;
	s8 =	simm.s32 $0x13;
	s26 =	ssub.s32 s7, s9  }
0xe: {  	_ =	strace $0x80000047;
	s2 =	sadd.s32 s2, s4;
	s29 =	smax.u32 s26, $0x1  }
0xf: {  	s0 =	sadd.s32 s6, s0;
	s30 =	sadd.s32 $0x1000, s2;
	[dreg:$0x6] =	wrdreg s29  }
0x10: {  	s9 =	simm.s32 $0x40;
	s0 =	sadd.s32 $0x800, s0;
	[dreg:$0x7] =	wrdreg s30  }
0x11: {  	s2 =	simm.s32 $0x10;
	[dreg:$0x5] =	wrdreg s0;
	s0 =	simm.s32 $0x11  }
.LBB2_1:
0x12: {  	s4 =	rddreg [dreg:$0x5]  }
0x13: {  	[tilespmem:s3], [sflag:$0x13] =	stream.linear.gather [hbm4b:s4+s3], $0x3200, $0x38;
	[tilespmem:$0x1D400] =	vst v63  }
0x14: {  	_ =	swait.ge [sflag:s8], $0x3200  }
0x15: {  	[sflag:s8] =	ssyncset.done $0x0  }
0x16: {  	[sflag:s8] =	ssyncadd.s32 $0xFFFFCE00  }
0x17: {  	[tilespmem:s10], [sflag:$0x1] =	stream.indirect.gather [hbm4b:s1+s9], $0x80, s3, s9, $0xb8;
	[tilespmem:$0x1D400] =	vst v63  }
0x18: {  	s26 =	simm.s32 $0x80  }
0x19: {  	[tilespmem:s12], [sflag:$0x2] =	stream.indirect.gather [hbm4b:s1+s9], $0x80, s26, s9, $0xb8;
	[tilespmem:$0x1D400] =	vst v63  }
0x1a: {  	s28 =	simm.s32 $0x100  }
0x1b: {  	[tilespmem:s14], [sflag:$0x3] =	stream.indirect.gather [hbm4b:s1+s9], $0x80, s28, s9, $0xb8;
	[tilespmem:$0x1D400] =	vst v63  }
0x1c: {  	s29 =	simm.s32 $0x180;
	s30 =	simm.s32 $0x200;
	s17 =	simm.s32 $0x0  }
0x1d: {  	[tilespmem:s16], [sflag:$0x4] =	stream.indirect.gather [hbm4b:s1+s9], $0x80, s29, s9, $0xb8;
	[tilespmem:$0x1D400] =	vst v63  }
0x1e: {  	s6 =	simm.s32 $0x0;
	s4 =	simm.s32 $0x0;
	s7 =	rddreg [dreg:$0x7]  }
0x1f: {  	[tilespmem:s18], [sflag:$0x5] =	stream.indirect.gather [hbm4b:s1+s9], $0x80, s30, s9, $0xb8;
	[tilespmem:$0x1D400] =	vst v63  }
.LBB2_2:
0x20: {  	_ =	swait.ge [sflag:s19], $0x2000  }
0x21: {  	[sflag:s19] =	ssyncset.done $0x0  }
0x22: {  	s15 =	sadd.s32 $0xFFFFF000, s7;
	p0 =	seq.s32 s4, $0xBE00;
	[sflag:s19] =	ssyncadd.s32 $0xFFFFE000  }
0x23: {  	[hbm4b:s15+s3] =	stream.linear.scatter [tilespmem:s10], [sflag:$0x6], $0x2000, $0x38;
	[tilespmem:$0x1D400] =	vst v63  }
0x24: {  	s15 =	simm.s32 @!p0 $0x6  }
0x25: {  	_ =	swait.ge @!p0 [sflag:s15], $0x2000  }
0x26: {  	[sflag:s15] =	ssyncset.done @!p0 $0x0  }
0x27: {  	[sflag:s15] =	ssyncadd.s32 @!p0 $0xFFFFE000;
	s15 =	sshra.s32 @!p0 s4, $0x2  }
0x28: {  	s25 =	simm.s32 @!p0 $0x40;
	s28 =	simm.s32 @!p0 $0x3400;
	s26 =	sadd.s32 @!p0 $0x280, s15  }
0x29: {  	[tilespmem:s28], [sflag:$0x1] =	stream.indirect.gather @!p0 [hbm4b:s1+s25], $0x80, s26, s25, $0xb8;
	[tilespmem:$0x1D400] =	vst v63  }
0x2a: {  	_ =	swait.ge [sflag:s20], $0x2000  }
0x2b: {  	p1 =	slt.u32 s6, $0x2;
	s26 =	sand.u32 $0x4, s17;
	[sflag:s20] =	ssyncset.done $0x0  }
0x2c: {  	s28 =	sadd.s32 @!p1 $0xB, s26;
	[sflag:s20] =	ssyncadd.s32 $0xFFFFE000  }
0x2d: {  	_ =	swait.ge @!p1 [sflag:s28], $0x400  }
0x2e: {  	s29 =	sshll.u32 s26, $0xD;
	[sflag:s28] =	ssyncset.done @!p1 $0x0  }
0x2f: {  	[sflag:s28] =	ssyncadd.s32 @!p1 $0xFFFFFC00;
	s28 =	sadd.s32 s29, s5  }
0x30: {  	[spmem:s28] =	stream.linear.scatter [tilespmem:s12], [sflag:$0x13], $0x2000, $0x38;
	[tilespmem:$0x1D400] =	vst v63  }
0x31: {  	_ =	swait.ge [sflag:s8], $0x2000  }
0x32: {  	s30 =	sadd.s32 $0xFFFFF400, s7;
	s29 =	sor.u32 s21, s26;
	[sflag:s8] =	ssyncset.done $0x0  }
0x33: {  	s29 =	sadd.s32 $0x1C0B, s29;
	s28 =	sshrl.u32 s28, $0x3;
	[sflag:s8] =	ssyncadd.s32 $0xFFFFE000  }
0x34: {  	[hbm:s30], [sflag:s29] =	dma.local [spmem:s28], $0x400  }
0x35: {  	s28 =	sadd.s32 @!p0 $0x300, s15;
	s29 =	simm.s32 @!p0 $0x5400  }
0x36: {  	[tilespmem:s29], [sflag:$0x2] =	stream.indirect.gather @!p0 [hbm4b:s1+s25], $0x80, s28, s25, $0xb8;
	[tilespmem:$0x1D400] =	vst v63  }
0x37: {  	_ =	swait.ge [sflag:s22], $0x2000  }
0x38: {  	s28 =	sor.u32 $0x1, s26;
	[sflag:s22] =	ssyncset.done $0x0  }
0x39: {  	s29 =	sadd.s32 @!p1 $0xB, s28;
	[sflag:s22] =	ssyncadd.s32 $0xFFFFE000  }
0x3a: {  	_ =	swait.ge @!p1 [sflag:s29], $0x400  }
0x3b: {  	s30 =	sshll.u32 s28, $0xD;
	[sflag:s29] =	ssyncset.done @!p1 $0x0  }
0x3c: {  	[sflag:s29] =	ssyncadd.s32 @!p1 $0xFFFFFC00;
	s29 =	sadd.s32 s30, s5  }
0x3d: {  	[spmem:s29] =	stream.linear.scatter [tilespmem:s14], [sflag:$0x13], $0x2000, $0x38;
	[tilespmem:$0x1D400] =	vst v63  }
0x3e: {  	s28 =	sor.u32 s21, s28;
	_ =	swait.ge [sflag:s8], $0x2000  }
0x3f: {  	s28 =	sadd.s32 $0x1C0B, s28;
	[sflag:s8] =	ssyncset.done $0x0  }
0x40: {  	s30 =	sadd.s32 $0xFFFFF800, s7;
	s29 =	sshrl.u32 s29, $0x3;
	[sflag:s8] =	ssyncadd.s32 $0xFFFFE000  }
0x41: {  	[hbm:s30], [sflag:s28] =	dma.local [spmem:s29], $0x400  }
0x42: {  	s28 =	sadd.s32 @!p0 $0x380, s15;
	s29 =	simm.s32 @!p0 $0x7400  }
0x43: {  	[tilespmem:s29], [sflag:$0x3] =	stream.indirect.gather @!p0 [hbm4b:s1+s25], $0x80, s28, s25, $0xb8;
	[tilespmem:$0x1D400] =	vst v63  }
0x44: {  	_ =	swait.ge [sflag:s23], $0x2000  }
0x45: {  	s28 =	sor.u32 $0x2, s26;
	[sflag:s23] =	ssyncset.done $0x0  }
0x46: {  	s29 =	sadd.s32 @!p1 $0xB, s28;
	[sflag:s23] =	ssyncadd.s32 $0xFFFFE000  }
0x47: {  	_ =	swait.ge @!p1 [sflag:s29], $0x400  }
0x48: {  	s30 =	sshll.u32 s28, $0xD;
	[sflag:s29] =	ssyncset.done @!p1 $0x0  }
0x49: {  	[sflag:s29] =	ssyncadd.s32 @!p1 $0xFFFFFC00;
	s29 =	sadd.s32 s30, s5  }
0x4a: {  	[spmem:s29] =	stream.linear.scatter [tilespmem:s16], [sflag:$0x13], $0x2000, $0x38;
	[tilespmem:$0x1D400] =	vst v63  }
0x4b: {  	s28 =	sor.u32 s21, s28;
	_ =	swait.ge [sflag:s8], $0x2000  }
0x4c: {  	s28 =	sadd.s32 $0x1C0B, s28;
	[sflag:s8] =	ssyncset.done $0x0  }
0x4d: {  	s30 =	sadd.s32 $0xFFFFFC00, s7;
	s29 =	sshrl.u32 s29, $0x3;
	[sflag:s8] =	ssyncadd.s32 $0xFFFFE000  }
0x4e: {  	[hbm:s30], [sflag:s28] =	dma.local [spmem:s29], $0x400  }
0x4f: {  	s28 =	sadd.s32 @!p0 $0x400, s15;
	s29 =	simm.s32 @!p0 $0x9400  }
0x50: {  	[tilespmem:s29], [sflag:$0x4] =	stream.indirect.gather @!p0 [hbm4b:s1+s25], $0x80, s28, s25, $0xb8;
	[tilespmem:$0x1D400] =	vst v63  }
0x51: {  	_ =	swait.ge [sflag:s24], $0x2000  }
0x52: {  	s26 =	sor.u32 $0x3, s26;
	[sflag:s24] =	ssyncset.done $0x0  }
0x53: {  	s28 =	sadd.s32 @!p1 $0xB, s26;
	[sflag:s24] =	ssyncadd.s32 $0xFFFFE000  }
0x54: {  	s6 =	sadd.s32 @!p0 $0x1, s6;
	_ =	swait.ge @!p1 [sflag:s28], $0x400  }
0x55: {  	s4 =	sadd.s32 @!p0 $0xA00, s4;
	s30 =	sshll.u32 s26, $0xD;
	[sflag:s28] =	ssyncset.done @!p1 $0x0  }
0x56: {  	s30 =	sadd.s32 s30, s5;
	[sflag:s28] =	ssyncadd.s32 @!p1 $0xFFFFFC00;
	p1 =	sne.s32 @!p0 s4, $0xC800  }
0x57: {  	[spmem:s30] =	stream.linear.scatter [tilespmem:s18], [sflag:$0x13], $0x2000, $0x38;
	[tilespmem:$0x1D400] =	vst v63  }
0x58: {  	s17 =	sadd.s32 @!p0 $0x4, s17;
	p1 =	por p0, !p1;
	_ =	swait.ge [sflag:s8], $0x2000  }
.Ltmp0:
0x59: {  	s26 =	sor.u32 s21, s26;
	[sflag:s8] =	ssyncset.done $0x0;
	(pc) =	sbr.rel @!p1 .LBB2_2-.Ltmp0, $4  }
0x5a: {  	s26 =	sadd.s32 $0x1C0B, s26;
	s28 =	sshrl.u32 s30, $0x3;
	[sflag:s8] =	ssyncadd.s32 $0xFFFFE000  }
0x5b: {  	[hbm:s7], [sflag:s26] =	dma.local [spmem:s28], $0x400  }
0x5c: {  	s15 =	sadd.s32 @!p0 $0x480, s15;
	s26 =	simm.s32 @!p0 $0xB400;
	s7 =	sadd.s32 @!p0 $0x1400, s7  }
0x5d: {  	[tilespmem:s26], [sflag:$0x5] =	stream.indirect.gather @!p0 [hbm4b:s1+s25], $0x80, s15, s25, $0xb8;
	[tilespmem:$0x1D400] =	vst v63  }
0x5e: {  	s4 =	simm.s32 $0x6  }
0x5f: {  	_ =	swait.ge [sflag:s4], $0x2000  }
0x60: {  	[sflag:s4] =	ssyncset.done $0x0  }
0x61: {  	s25 =	simm.s32 $0xB;
	[sflag:s4] =	ssyncadd.s32 $0xFFFFE000  }
0x62: {  	_ =	swait.ge [sflag:s25], $0x400  }
0x63: {  	[sflag:s25] =	ssyncset.done $0x0  }
0x64: {  	s26 =	simm.s32 $0xC;
	[sflag:s25] =	ssyncadd.s32 $0xFFFFFC00  }
0x65: {  	_ =	swait.ge [sflag:s26], $0x400  }
0x66: {  	[sflag:s26] =	ssyncset.done $0x0  }
0x67: {  	s28 =	simm.s32 $0xD;
	[sflag:s26] =	ssyncadd.s32 $0xFFFFFC00  }
0x68: {  	_ =	swait.ge [sflag:s28], $0x400  }
0x69: {  	[sflag:s28] =	ssyncset.done $0x0  }
0x6a: {  	s29 =	simm.s32 $0xE;
	[sflag:s28] =	ssyncadd.s32 $0xFFFFFC00  }
0x6b: {  	_ =	swait.ge [sflag:s29], $0x400  }
0x6c: {  	[sflag:s29] =	ssyncset.done $0x0  }
0x6d: {  	[sflag:s29] =	ssyncadd.s32 $0xFFFFFC00  }
0x6e: {  	_ =	swait.ge [sflag:s31], $0x400  }
0x6f: {  	[sflag:s31] =	ssyncset.done $0x0  }
0x70: {  	[sflag:s31] =	ssyncadd.s32 $0xFFFFFC00  }
0x71: {  	_ =	swait.ge [sflag:s2], $0x400  }
0x72: {  	[sflag:s2] =	ssyncset.done $0x0  }
0x73: {  	[sflag:s2] =	ssyncadd.s32 $0xFFFFFC00  }
0x74: {  	_ =	swait.ge [sflag:s0], $0x400  }
0x75: {  	[sflag:s0] =	ssyncset.done $0x0  }
0x76: {  	[sflag:s0] =	ssyncadd.s32 $0xFFFFFC00  }
0x77: {  	_ =	swait.ge [sflag:s11], $0x400  }
0x78: {  	s13 =	sadd.s32 $0x1, s13;
	s30 =	rddreg [dreg:$0x6]  }
0x79: {  	p0 =	sne.s32 s13, s30  }
.Ltmp1:
0x7a: {  	_ = 	snop;
	(pc) =	sbr.rel @p0 .LBB2_1-.Ltmp1, $3  }
0x7b: {  	_ =	sdelay $0x1  }
0x7c: {  	[sflag:s11] =	ssyncset.done $0x0  }
0x7d: {  	[sflag:s11] =	ssyncadd.s32 $0xFFFFFC00  }
0x7e: {  	_ =	sfence.sel $0x180000  }
0x7f: {  	[bflag:$0x0] =	sbarrier.arrive $0xFFFF  }
0x80: {  	_ =	strace $0x90000047  }
0x81: {  	s0 =	stileid.u32;
	[bflag:$0x2] =	sbarrier.arrive $0xFFFF  }
0x82: {  	p0 =	sne.s32 s0, $0x0;
	s0 =	rddreg [dreg:$0x4]  }
0x83: {  	s0 =	sadd.s32 @!p0 $0x100000, s0  }
0x84: {  	[sflag:s0] =	ssyncadd.tile.s32 @!p0 $0x1;
	_ =	shalt  }
.Lfunc_end2:
_tile_overlayer_lowered:
.L_overlay_start_2:
0x85: {  	(tag) =	ssettag $0x2  }
0x86: {  	s0 =	rddreg [dreg:$0x0];
	s2 =	stileid.u32  }
0x87: {  	s1 =	rddreg [dreg:$0x1];
	p0 =	sne.s32 s2, $0x0  }
0x88: {  	s3 =	rddreg [dreg:$0x2];
	[bflag:$0x3] =	sbarrier.arrive $0xFFFF;
	s2 =	simm.s32 @!p0 $0x1C13  }
0x89: {  	[timem:s3], [sflag:s2] =	dma.local @!p0 [hbm:s0], s1  }
0x8a: {  	s0 =	simm.s32 @!p0 $0x13  }
0x8b: {  	_ =	swait.ge @!p0 [sflag:s0], s1  }
0x8c: {  	s1 =	ssub.s32 @!p0 $0x0, s1;
	[sflag:s0] =	ssyncset.done @!p0 $0x0  }
0x8d: {  	[sflag:s0] =	ssyncadd.s32 @!p0 s1  }
0x8e: {  	[bflag:$0x3] =	sbarrier.arrive $0xFFFF  }
0x8f: {  	_ =	shalt  }

// kernel: sparse-core-data-format-call.cloned.1.call-start
scs
called_computation_lowered:
.L_overlay_start_0:
0x0: {  	s2 =	sld [smem:$0x3FD9]  }
0x1: {  	s3 =	sld [smem:$0x3FFE];
	_ =	sdelay $0x1  }
0x2: {  	s1 =	srdreg.scid  }
0x3: {  	s0 =	sand.u32 $0x1, s1  }
0x4: {  	s18 =	sshll.u32 s0, $0xA;
	s2 =	sadd.s32 s3, s2  }
0x5: {  	s2 =	sadd.s32 s2, s18  }
0x6: {  	[smem:$0x3FC6] =	sst s2  }
0x7: {  	_ = 	snop  }
0x8: {  	s2 =	sld [smem:$0x3FD0];
	(tm) =	ssettm $0x1  }
0x9: {  	s19 =	sld [smem:$0x3FFB];
	_ =	sdelay $0x3  }
0xa: {  	_ =	strace s19  }
0xb: {  	s3 =	sld [smem:$0x3FFC];
	_ =	sdelay $0x3  }
0xc: {  	_ =	strace s3  }
0xd: {  	s3 =	sld [smem:$0x3FFD];
	_ =	sdelay $0x3  }
0xe: {  	_ =	strace s3  }
0xf: {  	_ =	strace $0x8FFFFFFF  }
0x10: {  	s20 =	sld [smem:$0x3FDB];
	_ =	sdelay $0x1  }
0x11: {  	s4 =	simm.s32 $_scs_section_size  }
0x12: {  	s5 =	simm.s32 $_size__tile_overlayer_lowered;
	s6 =	simm.s32 $_tile_overlayer_lowered  }
0x13: {  	s23 =	simm.s32 $0x1BFF;
	s22 =	sshll.u32 s6, $0x1;
	s3 =	sadd.s32 s4, s20  }
0x14: {  	s7 =	simm.s32 $0x0;
	s21 =	sshll.u32 s5, $0x1;
	s5 =	sadd.s32 s22, s3  }
0x15: {  	[timem:s7], [sflag:s23] =	dma.local [hbm:s5], s21  }
0x16: {  	_ =	swait.ge [sflag:s23], s21  }
0x17: {  	s4 =	ssub.s32 $0x0, s21;
	[sflag:s23] =	ssyncset.done $0x0  }
0x18: {  	[sflag:s23] =	ssyncadd.s32 s4;
	_ =	sdelay $0x1  }
0x19: {  	s24 =	simm.s32 $0x1B8B  }
0x1a: {  	_ =	swait.ge [sflag:s24], $0x1  }
0x1b: {  	[sflag:s24] =	ssyncset.done $0x0  }
0x1c: {  	s26 =	simm.s32 $0x1B8E;
	s25 =	sld [smem:$0x3FFE];
	[sflag:s24] =	ssyncadd.s32 $0xFFFFFFFF  }
0x1d: {  	s27 =	simm.s32 $execute0_lowered;
	[smem:$0x3FD2] =	sst s26  }
0x1e: {  	s5 =	sshll.u32 s27, $0x1;
	_ =	strace $0x80000049;
	[dreg:$0x1] =	wrdreg $0xFFFFFFFF  }
0x1f: {  	s28 =	simm.s32 $_size_execute0_lowered;
	s3 =	sadd.s32 s3, s5;
	[dreg:$0x0] =	wrdreg $0x0  }
0x20: {  	s5 =	sshll.u32 s28, $0x1;
	[dreg:$0x2] =	wrdreg s3  }
0x21: {  	[dreg:$0x3] =	wrdreg s5  }
0x22: {  	[dreg:$0x4] =	wrdreg $0xC0  }
0x23: {  	_ =	task [dreg:s7], $0x5FFFF  }
0x24: {  	[dreg:$0x1] =	wrdreg $0xFFFFFFFF  }
0x25: {  	[dreg:$0x0] =	wrdreg $0x60  }
0x26: {  	[dreg:$0x2] =	wrdreg s25  }
0x27: {  	[dreg:$0x3] =	wrdreg s2  }
0x28: {  	[dreg:$0x4] =	wrdreg $0x9  }
0x29: {  	_ =	task.clear_ibuf [dreg:s7], $0x5FFFF;
	_ =	strace $0x90000049  }
0x2a: {  	s29 =	simm.s32 $0x9;
	_ =	strace $0x8000004B  }
0x2b: {  	_ =	swait.ge [sflag:s29], $0x1  }
0x2c: {  	[sflag:s29] =	ssyncadd.s32 $0xFFFFFFFF  }
0x2d: {  	_ =	strace $0x9000004B  }
0x2e: {  	_ =	sfence  }
0x2f: {  	s30 =	sld [smem:$0x0];
	_ =	sdelay $0x2  }
0x30: {  	s31 =	sshll.u32 s1, $0xD;
	s1 =	sshrl.u32 s1, $0x2  }
0x31: {  	s3 =	sand.u32 $0x4000, s31;
	s1 =	sadd.s32 s1, s30  }
0x32: {  	s0 =	sor.u32 s3, s0;
	s1 =	sshll.u32 s1, $0x11  }
0x33: {  	s0 =	sor.u32 s1, s0  }
0x34: {  	s0 =	sadd.s32 $0x8F2B, s0  }
0x35: {  	[sflag:s0] =	ssyncadd.remote.s32 $0x1  }
0x36: {  	_ =	sfence.sel $0xFFFF  }
0x37: {  	[dreg:$0x0] =	wrdreg $0xFFFFFFFF;
	(pc) =	sbr.abs _section_cstart, $3  }
0x38: {  	[dreg:$0x1] =	wrdreg $0xFFFFFFFF  }
0x39: {  	_ =	task.clear_ibuf [dreg:s7], $0x2FFFF;
	_ =	strace $0x9FFFFFFF  }
0x3a: {  	(tm) =	ssettm $0x7FFFFFFF  }
0x3b: {  	_ =	shalt  }
tec
execute0_lowered:
.L_overlay_start_1:
0x0: {  	(tag) =	ssettag $0x1  }
0x1: {  	s0 =	srdreg.scid  }
0x2: {  	s1 =	sshll.u32 s0, $0x4  }
0x3: {  	s0 =	stileid.u32;
	s1 =	sand.u32 $0x10, s1  }
0x4: {  	s1 =	sor.u32 s0, s1  }
0x5: {  	s6 =	rddreg [dreg:$0x0];
	s4 =	simm.s32 $0x1;
	s2 =	sshll.u32 s1, $0x6  }
0x6: {  	s7 =	simm.s32 $0x2;
	s13 =	simm.s32 $0x0;
	s1 =	ssub.s32 $0x1000, s2  }
0x7: {  	s8 =	simm.s32 $0x2000;
	s9 =	simm.s32 $0x80000;
	s3 =	sand.u32 $0x7C0, s1  }
0x8: {  	s14 =	simm.s32 $0x0;
	s5 =	sshrl.u32 s1, $0xB;
	p0 =	sne.s32 s3, $0x0  }
.Ltmp0:
0x9: {  	s1 =	rddreg [dreg:$0x2];
	s4 =	simm.s32 @!p0 $0x0;
	(pc) =	sbr.rel .LBB1_1-.Ltmp0, $4  }
0xa: {  	s10 =	simm.s32 $0x0;
	s3 =	rddreg [dreg:$0x1];
	s5 =	sadd.s32 s4, s5  }
0xb: {  	_ =	strace $0x8000004A;
	s4 =	simm.s32 $0x1;
	s5 =	smul.u32 $0x19, s5  }
0xc: {  	s12 =	simm.s32 $0x0;
	s6 =	sadd.s32 $0x800, s6;
	[sflag:s4] =	ssyncpa.u1 $0x0  }
0xd: {  	s11 =	smov.u32 s2;
	[sflag:s7] =	ssyncpa.u1 $0x0;
	s7 =	sadd.s32 $0x1, s5  }
.LBB1_7:
0xe: {  	s15 =	sadd.s32 $0x2, s10  }
0xf: {  	s13 =	sadd.s32 $0x800, s11;
	s17 =	smov.u32 s11;
	p1 =	sgt.s32 s15, $0x31  }
0x10: {  	s17 =	smov.u32 @p1 s13  }
0x11: {  	s15 =	simm.s32 @p1 $0x0;
	p1 =	sgt.s32 s17, $0xFFF  }
0x12: {  	s17 =	smov.u32 @p1 s2;
	p1 =	sne.s32 s12, s7  }
.Ltmp1:
0x13: {  	p0 =	slt.u32 s12, $0x2;
	(pc) =	sbr.rel @!p1 .LBB1_8-.Ltmp1, $4  }
0x14: {  	s16 =	simm.s32 @!p0 $0x2  }
0x15: {  	s14 =	smov.u32 s11;
	_ =	swait.ge @!p0 [sflag:s16], $0x4000  }
0x16: {  	s13 =	smov.u32 s10;
	[sflag:s16] =	ssyncset.done @!p0 $0x0;
	s10 =	smov.u32 s15  }
0x17: {  	s12 =	sadd.s32 $0x1, s12;
	[sflag:s16] =	ssyncadd.s32 @!p0 $0xFFFFC000;
	s11 =	smov.u32 s17  }
.LBB1_1:
0x18: {  	p0 =	sge.u32 s12, s5  }
0x19: {  	s15 =	sand.u32 @!p0 $0x1FFFFFF, s10  }
0x1a: {  	s16 =	smulhi.u32 @!p0 $0x4924925, s15;
	_ =	sdelay $0x1  }
0x1b: {  	s16 =	smul.u32 @!p0 $0x38, s16  }
0x1c: {  	s17 =	sxor.u32 @!p0 $0xFFFFFFFF, s12;
	s18 =	smul.u32 @!p0 $0x380, s11  }
0x1d: {  	s31 =	sadd.s32 $0xFFFFFFFF, s12;
	s17 =	sshll.u32 @!p0 s17, $0xE;
	s15 =	ssub.s32 @!p0 s15, s16  }
0x1e: {  	s16 =	sand.u32 @!p0 $0x4000, s17;
	s17 =	sadd.s32 @!p0 s6, s18;
	s15 =	sshll.u32 @!p0 s15, $0x4  }
0x1f: {  	s18 =	simm.s32 @!p0 $0x1C00;
	s15 =	sadd.s32 @!p0 s15, s17;
	s17 =	simm.s32 @!p0 $0x100  }
0x20: {  	[tilespmem:s16], [sflag:$0x1] =	stream.strided.gather @!p0 [hbm4b:s15+s17], $0x4000, s18, s17, $0x38;
	[tilespmem:$0x10000] =	vst v63  }
0x21: {  	p0 =	sge.u32 s31, s5  }
.Ltmp2:
0x22: {  	_ = 	snop;
	(pc) =	sbr.rel @p0 .LBB1_7-.Ltmp2, $1  }
0x23: {  	_ =	sdelay $0x3  }
0x24: {  	_ =	swait.ge [sflag:s4], $0x4000;
	s15 =	sshll.u32 s12, $0xE  }
0x25: {  	[sflag:s4] =	ssyncset.done $0x0;
	s16 =	sand.u32 $0x4000, s15  }
0x26: {  	s17 =	simm.s32 $0x0;
	[sflag:s4] =	ssyncadd.s32 $0xFFFFC000;
	s15 =	sor.u32 $0x8000, s16  }
.LBB1_3:
0x27: {  	s18 =	sshll.u32 s17, $0x8  }
0x28: {  	s18 =	sand.u32 $0x3FFFFF00, s18  }
0x29: {  	s19 =	sshll.u32 s17, $0x7;
	s18 =	sadd.s32 s18, s16  }
0x2a: {  	s19 =	sand.u32 $0x3FFFFF80, s19;
	v0 =	vmov s18  }
0x2b: {  	s19 =	sadd.s32 s19, s15  }
0x2c: {  	p0 =	por $0x1, $0x1;
	v1 =	vmov s19;
	s18 =	simm.s32 $0x0  }
.LBB1_4:
0x2d: {  	s19 =	sshll.u32 s18, $0x7  }
0x2e: {  	s19 =	sand.u32 $0x3FFFFF80, s19  }
0x2f: {  	v2 =	vld.idx.msk [tilespmem:v0+s19+$0x0 ss:$0x1], $0xffff  }
0x30: {  	v3 =	vld.idx.msk [tilespmem:v0+s19+$0x10 ss:$0x1], $0xffff  }
0x31: {  	v4 =	vld.idx.msk [tilespmem:v0+s19+$0x20 ss:$0x1], $0xffff  }
0x32: {  	s31 =	sshll.u32 s18, $0xD;
	v5 =	vld.idx.msk [tilespmem:v0+s19+$0x30 ss:$0x1], $0xffff  }
0x33: {  	s18 =	sand.u32 $0x3FFFE000, s31;
	v6 =	vld.idx.msk [tilespmem:v0+s19+$0x40 ss:$0x1], $0xffff  }
0x34: {  	v63 =	vld.idx.msk [tilespmem:v0+s19+$0x70 ss:$0x1], $0xffff;
	[tilespmem:v1+s18+$0x0 ss:$0x1] =	vst.idx.msk $0xffff, v2  }
0x35: {  	v2 =	vld.idx.msk [tilespmem:v0+s19+$0x50 ss:$0x1], $0xffff;
	[tilespmem:v1+s18+$0x10 ss:$0x1] =	vst.idx.msk $0xffff, v3  }
0x36: {  	p1 =	por p0, p0;
	v3 =	vld.idx.msk [tilespmem:v0+s19+$0x60 ss:$0x1], $0xffff;
	[tilespmem:v1+s18+$0x20 ss:$0x1] =	vst.idx.msk $0xffff, v4  }
.Ltmp3:
0x37: {  	[tilespmem:v1+s18+$0x30 ss:$0x1] =	vst.idx.msk $0xffff, v5;
	(pc) =	sbr.rel @p1 .LBB1_4-.Ltmp3, $4  }
0x38: {  	[tilespmem:v1+s18+$0x40 ss:$0x1] =	vst.idx.msk $0xffff, v6  }
0x39: {  	[tilespmem:v1+s18+$0x70 ss:$0x1] =	vst.idx.msk $0xffff, v63  }
0x3a: {  	[tilespmem:v1+s18+$0x50 ss:$0x1] =	vst.idx.msk $0xffff, v2  }
0x3b: {  	p0 =	por $0x0, $0x0;
	[tilespmem:v1+s18+$0x60 ss:$0x1] =	vst.idx.msk $0xffff, v3;
	s18 =	simm.s32 $0x1  }
0x3c: {  	s17 =	sadd.s32 $0x1, s17  }
0x3d: {  	p0 =	sne.s32 s17, $0x40  }
.Ltmp4:
0x3e: {  	_ = 	snop;
	(pc) =	sbr.rel @p0 .LBB1_3-.Ltmp4, $1  }
0x3f: {  	_ =	sdelay $0x3  }
.Ltmp5:
0x40: {  	s14 =	sshll.u32 s14, $0x4;
	(pc) =	sbr.rel .LBB1_7-.Ltmp5, $4  }
0x41: {  	s14 =	sand.u32 $0xFFF0, s14  }
0x42: {  	s13 =	sshll.u32 s13, $0x10;
	s14 =	sadd.s32 s3, s14  }
0x43: {  	s13 =	sadd.s32 s13, s14  }
0x44: {  	[hbm4b:s13+s8] =	stream.strided.scatter [tilespmem:s15], [sflag:$0x2], $0x4000, s9, s8, $0x38;
	[tilespmem:$0x10000] =	vst v63  }
.LBB1_8:
0x45: {  	_ =	sfence.sel $0x180000  }
0x46: {  	s2 =	simm.s32 $0x1;
	[bflag:$0x0] =	sbarrier.arrive $0xFFFF  }
0x47: {  	s31 =	simm.s32 $0x2;
	[sflag:s2] =	ssyncpa.u1 $0x1  }
0x48: {  	[sflag:s31] =	ssyncpa.u1 $0x1  }
0x49: {  	p0 =	sne.s32 s0, $0x0;
	_ =	strace $0x9000004A  }
0x4a: {  	s0 =	sadd.s32 @!p0 $0x100000, s1;
	[bflag:$0x2] =	sbarrier.arrive $0xFFFF  }
0x4b: {  	[sflag:s0] =	ssyncadd.tile.s32 @!p0 $0x1;
	_ =	shalt  }
.Lfunc_end1:
_tile_overlayer_lowered:
.L_overlay_start_2:
0x4c: {  	(tag) =	ssettag $0x2  }
0x4d: {  	s0 =	rddreg [dreg:$0x0];
	s2 =	stileid.u32  }
0x4e: {  	s1 =	rddreg [dreg:$0x1];
	p0 =	sne.s32 s2, $0x0  }
0x4f: {  	s3 =	rddreg [dreg:$0x2];
	[bflag:$0x3] =	sbarrier.arrive $0xFFFF;
	s2 =	simm.s32 @!p0 $0x1C01  }
0x50: {  	[timem:s3], [sflag:s2] =	dma.local @!p0 [hbm:s0], s1  }
0x51: {  	s0 =	simm.s32 @!p0 $0x1  }
0x52: {  	_ =	swait.ge @!p0 [sflag:s0], s1  }
0x53: {  	s1 =	ssub.s32 @!p0 $0x0, s1;
	[sflag:s0] =	ssyncset.done @!p0 $0x0  }
0x54: {  	[sflag:s0] =	ssyncadd.s32 @!p0 s1  }
0x55: {  	[bflag:$0x3] =	sbarrier.arrive $0xFFFF  }
0x56: {  	_ =	shalt  }

</sc_bundles>
